<compile_context>
chip_gen: v7x
topology: tpu7x:2x2x1
jax: 0.10.2.dev20260603
libtpu: 0.0.44.dev20260713+nightly
codegen_flags: <defaults>
</compile_context>

<pallas_src>
import functools

import jax
import jax.numpy as jnp
from jax import lax
from jax.experimental import pallas as pl
from jax.experimental.pallas import tpu as pltpu
from jax.experimental.pallas import tpu_sc as plsc

B = 16384
D = 128
C = 1000
CPAD = 1024
NC = 2
NS = 16
NW = NC * NS
RPW = B // NW
SUB = 128
NSUB = RPW // SUB
NBUF = 3
STRIPE = CPAD // NS


def _sc_body(pred_hbm, y_hbm, zrow_hbm, ones_hbm,
             st_out, n_out,
             idx0, idx1, idx2, p0, p1, p2, q0, q1, ones_v,
             acc_s, acc_t, acc_n,
             sem_in0, sem_in1, sem_in2, sem_sc0, sem_sc1, sem_sc2):
    cid = lax.axis_index("c")
    sid = lax.axis_index("s")
    wid = sid * NC + cid
    idx_bufs = (idx0, idx1, idx2)
    p_bufs = (p0, p1, p2)
    q_bufs = (q0, q1)
    sem_in = (sem_in0, sem_in1, sem_in2)
    sem_sc = (sem_sc0, sem_sc1, sem_sc2)

    def start_fill(s):
        buf = s % NBUF
        base = wid * RPW + s * SUB
        pltpu.sync_copy(y_hbm.at[pl.ds(base, SUB)], idx_bufs[buf])
        return pltpu.async_copy(
            pred_hbm.at[pl.ds(base, SUB)], p_bufs[buf], sem_in[buf])

    fills = {0: start_fill(0)}

    rz = pl.ds(sid * STRIPE, STRIPE)
    z1 = pltpu.async_copy(zrow_hbm.at[rz], acc_s.at[rz], sem_sc0)
    z2 = pltpu.async_copy(zrow_hbm.at[rz], acc_t.at[rz], sem_sc1)
    z3 = pltpu.async_copy(zrow_hbm.at[rz], acc_n.at[rz], sem_sc2)
    pltpu.sync_copy(ones_hbm, ones_v)
    z1.wait()
    z2.wait()
    z3.wait()
    plsc.subcore_barrier()

    scats = {}
    for s in range(NSUB):
        buf = s % NBUF
        if s - 2 in scats:
            for d in scats[s - 2]:
                d.wait()
        fills[s].wait()
        pv = p_bufs[buf]
        qv = q_bufs[s % 2]

        @plsc.parallel_loop(0, SUB, unroll=4)
        def sq_body(r, pv=pv, qv=qv):
            for c in range(D // 16):
                v = pv[r, pl.ds(c * 16, 16)]
                qv[r, pl.ds(c * 16, 16)] = v * v

        if s + 1 < NSUB:
            fills[s + 1] = start_fill(s + 1)

        scats[s] = (
            pltpu.async_copy(pv, acc_s.at[idx_bufs[buf]], sem_sc[buf],
                             add=True),
            pltpu.async_copy(qv, acc_t.at[idx_bufs[buf]], sem_sc[buf],
                             add=True),
            pltpu.async_copy(ones_v, acc_n.at[idx_bufs[buf]], sem_sc[buf],
                             add=True),
        )

    for s in (NSUB - 2, NSUB - 1):
        if s in scats:
            for d in scats[s]:
                d.wait()
    plsc.subcore_barrier()
    pltpu.sync_copy(acc_s.at[rz], st_out.at[0, cid, rz])
    pltpu.sync_copy(acc_t.at[rz], st_out.at[1, cid, rz])
    pltpu.sync_copy(acc_n.at[rz], n_out.at[cid, rz])


_sc_segsums = functools.partial(
    pl.kernel,
    mesh=plsc.VectorSubcoreMesh(core_axis_name="c", subcore_axis_name="s"),
    out_type=[
        jax.ShapeDtypeStruct((2, NC, CPAD, D), jnp.float32),
        jax.ShapeDtypeStruct((NC, CPAD, D), jnp.float32),
    ],
    scratch_types=[
        pltpu.VMEM((SUB,), jnp.int32),
        pltpu.VMEM((SUB,), jnp.int32),
        pltpu.VMEM((SUB,), jnp.int32),
        pltpu.VMEM((SUB, D), jnp.float32),
        pltpu.VMEM((SUB, D), jnp.float32),
        pltpu.VMEM((SUB, D), jnp.float32),
        pltpu.VMEM((SUB, D), jnp.float32),
        pltpu.VMEM((SUB, D), jnp.float32),
        pltpu.VMEM((SUB, D), jnp.float32),
        pltpu.VMEM_SHARED((CPAD, D), jnp.float32),
        pltpu.VMEM_SHARED((CPAD, D), jnp.float32),
        pltpu.VMEM_SHARED((CPAD, D), jnp.float32),
        pltpu.SemaphoreType.DMA,
        pltpu.SemaphoreType.DMA,
        pltpu.SemaphoreType.DMA,
        pltpu.SemaphoreType.DMA,
        pltpu.SemaphoreType.DMA,
        pltpu.SemaphoreType.DMA,
    ],
)(_sc_body)


def _tc_finish(st_ref, n_ref, c_ref, o_ref):
    s2 = (st_ref[0, 0] + st_ref[0, 1])[:C]
    t2 = (st_ref[1, 0] + st_ref[1, 1])[:C]
    q = jnp.sum(t2, axis=1, keepdims=True)
    n = (n_ref[0, :, 0:1] + n_ref[1, :, 0:1])[:C]
    ctr = c_ref[...]
    cross = jnp.sum(ctr * s2, axis=1, keepdims=True)
    cc = jnp.sum(ctr * ctr, axis=1, keepdims=True)
    means = jnp.where(n > 0.0,
                      (q - 2.0 * cross) / jnp.maximum(n, 1.0) + cc,
                      0.0)
    o_ref[...] = jnp.sum(means).reshape(1, 1)


def kernel(pred, target_y, centers):
    y = target_y.astype(jnp.int32)
    zrow = jnp.zeros((CPAD, D), jnp.float32)
    ones = jnp.ones((SUB, D), jnp.float32)
    st_p, n_p = _sc_segsums(pred, y, zrow, ones)
    loss = pl.pallas_call(
        _tc_finish,
        out_shape=jax.ShapeDtypeStruct((1, 1), jnp.float32),
    )(st_p, n_p, centers)
    return loss.reshape(1)

# --- scband reference (transcript-rebuilt; emitter-appended) ---
"""Pipeline reference for scband-prototype-loss-36086315221209 (READ-ONLY COPY).

The authoritative reference and input builder live on the scoring server;
editing this copy changes nothing except your own understanding.
"""

import jax, jax.numpy as jnp
import numpy as np


def setup_inputs(seed: int = 0) -> dict:
    key = jax.random.key(seed)
    k1, k2, k3 = jax.random.split(key, 3)
    pred = jax.random.normal(k1, (16384, 128), dtype=jnp.float32)
    target_y = jax.random.randint(k2, (16384,), 0, 1000)
    centers = jax.random.normal(k3, (1000, 128), dtype=jnp.float32)
    return {"pred": pred, "target_y": target_y, "centers": centers}


def reference(pred, target_y, centers):
    # pred: (B, D) float32; target_y: (B,) int; centers: (C, D) float32
    C = centers.shape[0]
    # gather the center for each sample
    center_batch = jnp.take(centers, target_y, axis=0)
    # squared euclidean distance per sample
    dist = jnp.sum(jnp.square(pred - center_batch), axis=1)  # (B,)
    # compute_mean: per-class mean of dist via scatter-add (segment sum) / counts.
    # torch's unique-based version only includes classes present in target_y;
    # absent classes contribute nothing to the final sum, which jnp.where replicates.
    sums = jax.ops.segment_sum(dist, target_y, num_segments=C)  # (C,)
    counts = jnp.bincount(target_y, length=C)  # (C,)
    means = jnp.where(counts > 0, sums / jnp.maximum(counts, 1).astype(jnp.float32), 0.0)
    # torch: compute_mean returns (num_unique, 1); sum over axis=0 -> shape (1,)
    loss = jnp.sum(means).reshape(1)
    return loss

if __name__ == "__main__":
    import jax
    _d = setup_inputs()
    print(jax.jit(kernel)(*tuple(_d.values())))

</pallas_src>

<mosaic_0001>
#map = affine_map<(d0, d1) -> (0, 0)>
#map1 = affine_map<(d0, d1) -> (0)>
#map2 = affine_map<(d0, d1) -> (0, 0, 0, 0)>
#map3 = affine_map<(d0, d1) -> (0, 0, 0)>
module attributes {stable_mosaic.version = 14 : i64} {
  func.func @_sc_body(%arg0: i32, %arg1: i32, %arg2: memref<16384x128xf32, #tpu.memory_space<hbm>>, %arg3: memref<16384xi32, #tpu.memory_space<hbm>>, %arg4: memref<1024x128xf32, #tpu.memory_space<hbm>>, %arg5: memref<128x128xf32, #tpu.memory_space<hbm>>, %arg6: memref<2x2x1024x128xf32, #tpu.memory_space<hbm>>, %arg7: memref<2x1024x128xf32, #tpu.memory_space<hbm>>, %arg8: memref<128xi32, #tpu.memory_space<vmem>>, %arg9: memref<128xi32, #tpu.memory_space<vmem>>, %arg10: memref<128xi32, #tpu.memory_space<vmem>>, %arg11: memref<128x128xf32, #tpu.memory_space<vmem>>, %arg12: memref<128x128xf32, #tpu.memory_space<vmem>>, %arg13: memref<128x128xf32, #tpu.memory_space<vmem>>, %arg14: memref<128x128xf32, #tpu.memory_space<vmem>>, %arg15: memref<128x128xf32, #tpu.memory_space<vmem>>, %arg16: memref<128x128xf32, #tpu.memory_space<vmem>>, %arg17: memref<1024x128xf32, #tpu.memory_space<vmem_shared>>, %arg18: memref<1024x128xf32, #tpu.memory_space<vmem_shared>>, %arg19: memref<1024x128xf32, #tpu.memory_space<vmem_shared>>, %arg20: memref<!tpu.dma_semaphore, #tpu.memory_space<semaphore_mem>>, %arg21: memref<!tpu.dma_semaphore, #tpu.memory_space<semaphore_mem>>, %arg22: memref<!tpu.dma_semaphore, #tpu.memory_space<semaphore_mem>>, %arg23: memref<!tpu.dma_semaphore, #tpu.memory_space<semaphore_mem>>, %arg24: memref<!tpu.dma_semaphore, #tpu.memory_space<semaphore_mem>>, %arg25: memref<!tpu.dma_semaphore, #tpu.memory_space<semaphore_mem>>) attributes {dimension_semantics = [#tpu.dimension_semantics<core_parallel>, #tpu.dimension_semantics<subcore_parallel>], iteration_bounds = array<i64: 2, 16>, scalar_prefetch = 0 : i64, scratch_operands = 18 : i64, tpu.core_type = #tpu.core_type<sc_vector_subcore>, window_params = [{transform_indices = #map}, {transform_indices = #map1}, {transform_indices = #map}, {transform_indices = #map}, {transform_indices = #map2}, {transform_indices = #map3}]} {
    %mul3A = arith.constant 2 : i32
    %mul3A_0 = arith.muli %arg1, %mul3A : i32
    %add3A = arith.addi %mul3A_0, %arg0 : i32
    %mul3A_1 = arith.constant 512 : i32
    %mul3A_2 = arith.muli %add3A, %mul3A_1 : i32
    %add3A_3 = arith.constant 0 : i32
    %add3A_4 = arith.addi %mul3A_2, %add3A_3 : i32
    "tpu.region"() ({
      %run_scoped3A_158 = tpu.sem_alloc : memref<!tpu.dma_semaphore, #tpu.memory_space<semaphore_mem>>
      %dma_start3A_159 = tpu.memref_slice %arg3[%add3A_4] : memref<16384xi32, #tpu.memory_space<hbm>> -> memref<128xi32, #tpu.memory_space<hbm>>
      %dma_start3A_160 = tpu.memref_slice %arg3[%add3A_4] : memref<16384xi32, #tpu.memory_space<hbm>> -> memref<128xi32, #tpu.memory_space<hbm>>
      tpu.enqueue_dma source(%dma_start3A_160 : memref<128xi32, #tpu.memory_space<hbm>>) target(%arg8 : memref<128xi32, #tpu.memory_space<vmem>>) target_semaphore(%run_scoped3A_158 : memref<!tpu.dma_semaphore, #tpu.memory_space<semaphore_mem>>)
      %dma_wait3A_161 = tpu.memref_slice %arg3[%add3A_4] : memref<16384xi32, #tpu.memory_space<hbm>> -> memref<128xi32, #tpu.memory_space<hbm>>
      %dma_wait3A_162 = tpu.memref_slice %arg3[%add3A_4] : memref<16384xi32, #tpu.memory_space<hbm>> -> memref<128xi32, #tpu.memory_space<hbm>>
      tpu.wait_dma2 semaphore(%run_scoped3A_158 : memref<!tpu.dma_semaphore, #tpu.memory_space<semaphore_mem>>) src(%dma_wait3A_162 : memref<128xi32, #tpu.memory_space<hbm>>) dst(%arg8 : memref<128xi32, #tpu.memory_space<vmem>>)
      tpu.yield
    }) : () -> ()
    %dma_start3A = arith.constant 0 : i32
    %dma_start3A_5 = tpu.memref_slice %arg2[%add3A_4, %dma_start3A] : memref<16384x128xf32, #tpu.memory_space<hbm>> -> memref<128x128xf32, #tpu.memory_space<hbm>>
    %dma_start3A_6 = arith.constant 0 : i32
    %dma_start3A_7 = tpu.memref_slice %arg2[%add3A_4, %dma_start3A_6] : memref<16384x128xf32, #tpu.memory_space<hbm>> -> memref<128x128xf32, #tpu.memory_space<hbm>>
    tpu.enqueue_dma source(%dma_start3A_7 : memref<128x128xf32, #tpu.memory_space<hbm>>) target(%arg11 : memref<128x128xf32, #tpu.memory_space<vmem>>) target_semaphore(%arg20 : memref<!tpu.dma_semaphore, #tpu.memory_space<semaphore_mem>>)
    %mul3A_8 = arith.constant 64 : i32
    %mul3A_9 = arith.muli %arg1, %mul3A_8 : i32
    %dma_start3A_10 = arith.constant 0 : i32
    %dma_start3A_11 = tpu.memref_slice %arg17[%mul3A_9, %dma_start3A_10] : memref<1024x128xf32, #tpu.memory_space<vmem_shared>> -> memref<64x128xf32, #tpu.memory_space<vmem_shared>>
    %dma_start3A_12 = arith.constant 0 : i32
    %dma_start3A_13 = tpu.memref_slice %arg4[%mul3A_9, %dma_start3A_12] : memref<1024x128xf32, #tpu.memory_space<hbm>> -> memref<64x128xf32, #tpu.memory_space<hbm>>
    tpu.enqueue_dma source(%dma_start3A_13 : memref<64x128xf32, #tpu.memory_space<hbm>>) target(%dma_start3A_11 : memref<64x128xf32, #tpu.memory_space<vmem_shared>>) target_semaphore(%arg23 : memref<!tpu.dma_semaphore, #tpu.memory_space<semaphore_mem>>)
    %dma_start3A_14 = arith.constant 0 : i32
    %dma_start3A_15 = tpu.memref_slice %arg18[%mul3A_9, %dma_start3A_14] : memref<1024x128xf32, #tpu.memory_space<vmem_shared>> -> memref<64x128xf32, #tpu.memory_space<vmem_shared>>
    %dma_start3A_16 = arith.constant 0 : i32
    %dma_start3A_17 = tpu.memref_slice %arg4[%mul3A_9, %dma_start3A_16] : memref<1024x128xf32, #tpu.memory_space<hbm>> -> memref<64x128xf32, #tpu.memory_space<hbm>>
    tpu.enqueue_dma source(%dma_start3A_17 : memref<64x128xf32, #tpu.memory_space<hbm>>) target(%dma_start3A_15 : memref<64x128xf32, #tpu.memory_space<vmem_shared>>) target_semaphore(%arg24 : memref<!tpu.dma_semaphore, #tpu.memory_space<semaphore_mem>>)
    %dma_start3A_18 = arith.constant 0 : i32
    %dma_start3A_19 = tpu.memref_slice %arg19[%mul3A_9, %dma_start3A_18] : memref<1024x128xf32, #tpu.memory_space<vmem_shared>> -> memref<64x128xf32, #tpu.memory_space<vmem_shared>>
    %dma_start3A_20 = arith.constant 0 : i32
    %dma_start3A_21 = tpu.memref_slice %arg4[%mul3A_9, %dma_start3A_20] : memref<1024x128xf32, #tpu.memory_space<hbm>> -> memref<64x128xf32, #tpu.memory_space<hbm>>
    tpu.enqueue_dma source(%dma_start3A_21 : memref<64x128xf32, #tpu.memory_space<hbm>>) target(%dma_start3A_19 : memref<64x128xf32, #tpu.memory_space<vmem_shared>>) target_semaphore(%arg25 : memref<!tpu.dma_semaphore, #tpu.memory_space<semaphore_mem>>)
    "tpu.region"() ({
      %run_scoped3A_158 = tpu.sem_alloc : memref<!tpu.dma_semaphore, #tpu.memory_space<semaphore_mem>>
      tpu.enqueue_dma source(%arg5 : memref<128x128xf32, #tpu.memory_space<hbm>>) target(%arg16 : memref<128x128xf32, #tpu.memory_space<vmem>>) target_semaphore(%run_scoped3A_158 : memref<!tpu.dma_semaphore, #tpu.memory_space<semaphore_mem>>)
      tpu.wait_dma2 semaphore(%run_scoped3A_158 : memref<!tpu.dma_semaphore, #tpu.memory_space<semaphore_mem>>) src(%arg5 : memref<128x128xf32, #tpu.memory_space<hbm>>) dst(%arg16 : memref<128x128xf32, #tpu.memory_space<vmem>>)
      tpu.yield
    }) : () -> ()
    %dma_wait3A = arith.constant 0 : i32
    %dma_wait3A_22 = tpu.memref_slice %arg17[%mul3A_9, %dma_wait3A] : memref<1024x128xf32, #tpu.memory_space<vmem_shared>> -> memref<64x128xf32, #tpu.memory_space<vmem_shared>>
    %dma_wait3A_23 = arith.constant 0 : i32
    %dma_wait3A_24 = tpu.memref_slice %arg4[%mul3A_9, %dma_wait3A_23] : memref<1024x128xf32, #tpu.memory_space<hbm>> -> memref<64x128xf32, #tpu.memory_space<hbm>>
    tpu.wait_dma2 semaphore(%arg23 : memref<!tpu.dma_semaphore, #tpu.memory_space<semaphore_mem>>) src(%dma_wait3A_24 : memref<64x128xf32, #tpu.memory_space<hbm>>) dst(%dma_wait3A_22 : memref<64x128xf32, #tpu.memory_space<vmem_shared>>)
    %dma_wait3A_25 = arith.constant 0 : i32
    %dma_wait3A_26 = tpu.memref_slice %arg18[%mul3A_9, %dma_wait3A_25] : memref<1024x128xf32, #tpu.memory_space<vmem_shared>> -> memref<64x128xf32, #tpu.memory_space<vmem_shared>>
    %dma_wait3A_27 = arith.constant 0 : i32
    %dma_wait3A_28 = tpu.memref_slice %arg4[%mul3A_9, %dma_wait3A_27] : memref<1024x128xf32, #tpu.memory_space<hbm>> -> memref<64x128xf32, #tpu.memory_space<hbm>>
    tpu.wait_dma2 semaphore(%arg24 : memref<!tpu.dma_semaphore, #tpu.memory_space<semaphore_mem>>) src(%dma_wait3A_28 : memref<64x128xf32, #tpu.memory_space<hbm>>) dst(%dma_wait3A_26 : memref<64x128xf32, #tpu.memory_space<vmem_shared>>)
    %dma_wait3A_29 = arith.constant 0 : i32
    %dma_wait3A_30 = tpu.memref_slice %arg19[%mul3A_9, %dma_wait3A_29] : memref<1024x128xf32, #tpu.memory_space<vmem_shared>> -> memref<64x128xf32, #tpu.memory_space<vmem_shared>>
    %dma_wait3A_31 = arith.constant 0 : i32
    %dma_wait3A_32 = tpu.memref_slice %arg4[%mul3A_9, %dma_wait3A_31] : memref<1024x128xf32, #tpu.memory_space<hbm>> -> memref<64x128xf32, #tpu.memory_space<hbm>>
    tpu.wait_dma2 semaphore(%arg25 : memref<!tpu.dma_semaphore, #tpu.memory_space<semaphore_mem>>) src(%dma_wait3A_32 : memref<64x128xf32, #tpu.memory_space<hbm>>) dst(%dma_wait3A_30 : memref<64x128xf32, #tpu.memory_space<vmem_shared>>)
    %barrier3A = arith.constant 0 : index
    tpu.barrier barrier_id(%barrier3A)
    %dma_wait3A_33 = arith.constant 0 : i32
    %dma_wait3A_34 = tpu.memref_slice %arg2[%add3A_4, %dma_wait3A_33] : memref<16384x128xf32, #tpu.memory_space<hbm>> -> memref<128x128xf32, #tpu.memory_space<hbm>>
    %dma_wait3A_35 = arith.constant 0 : i32
    %dma_wait3A_36 = tpu.memref_slice %arg2[%add3A_4, %dma_wait3A_35] : memref<16384x128xf32, #tpu.memory_space<hbm>> -> memref<128x128xf32, #tpu.memory_space<hbm>>
    tpu.wait_dma2 semaphore(%arg20 : memref<!tpu.dma_semaphore, #tpu.memory_space<semaphore_mem>>) src(%dma_wait3A_36 : memref<128x128xf32, #tpu.memory_space<hbm>>) dst(%arg11 : memref<128x128xf32, #tpu.memory_space<vmem>>)
    %parallel_loop3A = arith.constant 0 : i32
    %parallel_loop3A_37 = arith.constant 128 : i32
    %parallel_loop3A_38 = arith.constant 1 : i32
    scf.for %parallel_loop3A_158 = %parallel_loop3A to %parallel_loop3A_37 step %parallel_loop3A_38  : i32 {
      %parallel_loop3A_159 = arith.index_cast %parallel_loop3A_158 : i32 to index
      %parallel_loop3A_160 = arith.constant 0 : index
      %parallel_loop3A_161 = tpu.vector_load %arg11[%parallel_loop3A_159, %parallel_loop3A_160] {strides = array<i32>} : memref<128x128xf32, #tpu.memory_space<vmem>>, vector<1x16xf32>,
      %parallel_loop3A_162 = vector.shape_cast %parallel_loop3A_161 : vector<1x16xf32> to vector<16xf32>
      %parallel_loop3A_163 = arith.mulf %parallel_loop3A_162, %parallel_loop3A_162 : vector<16xf32>
      %parallel_loop3A_164 = arith.index_cast %parallel_loop3A_158 : i32 to index
      %parallel_loop3A_165 = arith.constant 0 : index
      %parallel_loop3A_166 = tpu.vector_load %arg14[%parallel_loop3A_164, %parallel_loop3A_165] {strides = array<i32>} : memref<128x128xf32, #tpu.memory_space<vmem>>, vector<1x16xf32>,
      %parallel_loop3A_167 = vector.shape_cast %parallel_loop3A_166 : vector<1x16xf32> to vector<16xf32>
      %parallel_loop3A_168 = vector.shape_cast %parallel_loop3A_163 : vector<16xf32> to vector<1x16xf32>
      tpu.vector_store %arg14[%parallel_loop3A_164, %parallel_loop3A_165], %parallel_loop3A_168 {strides = array<i32>} : memref<128x128xf32, #tpu.memory_space<vmem>>, vector<1x16xf32>,
      %parallel_loop3A_169 = arith.index_cast %parallel_loop3A_158 : i32 to index
      %parallel_loop3A_170 = arith.constant 16 : index
      %parallel_loop3A_171 = tpu.vector_load %arg11[%parallel_loop3A_169, %parallel_loop3A_170] {strides = array<i32>} : memref<128x128xf32, #tpu.memory_space<vmem>>, vector<1x16xf32>,
      %parallel_loop3A_172 = vector.shape_cast %parallel_loop3A_171 : vector<1x16xf32> to vector<16xf32>
      %parallel_loop3A_173 = arith.mulf %parallel_loop3A_172, %parallel_loop3A_172 : vector<16xf32>
      %parallel_loop3A_174 = arith.index_cast %parallel_loop3A_158 : i32 to index
      %parallel_loop3A_175 = arith.constant 16 : index
      %parallel_loop3A_176 = tpu.vector_load %arg14[%parallel_loop3A_174, %parallel_loop3A_175] {strides = array<i32>} : memref<128x128xf32, #tpu.memory_space<vmem>>, vector<1x16xf32>,
      %parallel_loop3A_177 = vector.shape_cast %parallel_loop3A_176 : vector<1x16xf32> to vector<16xf32>
      %parallel_loop3A_178 = vector.shape_cast %parallel_loop3A_173 : vector<16xf32> to vector<1x16xf32>
      tpu.vector_store %arg14[%parallel_loop3A_174, %parallel_loop3A_175], %parallel_loop3A_178 {strides = array<i32>} : memref<128x128xf32, #tpu.memory_space<vmem>>, vector<1x16xf32>,
      %parallel_loop3A_179 = arith.index_cast %parallel_loop3A_158 : i32 to index
      %parallel_loop3A_180 = arith.constant 32 : index
      %parallel_loop3A_181 = tpu.vector_load %arg11[%parallel_loop3A_179, %parallel_loop3A_180] {strides = array<i32>} : memref<128x128xf32, #tpu.memory_space<vmem>>, vector<1x16xf32>,
      %parallel_loop3A_182 = vector.shape_cast %parallel_loop3A_181 : vector<1x16xf32> to vector<16xf32>
      %parallel_loop3A_183 = arith.mulf %parallel_loop3A_182, %parallel_loop3A_182 : vector<16xf32>
      %parallel_loop3A_184 = arith.index_cast %parallel_loop3A_158 : i32 to index
      %parallel_loop3A_185 = arith.constant 32 : index
      %parallel_loop3A_186 = tpu.vector_load %arg14[%parallel_loop3A_184, %parallel_loop3A_185] {strides = array<i32>} : memref<128x128xf32, #tpu.memory_space<vmem>>, vector<1x16xf32>,
      %parallel_loop3A_187 = vector.shape_cast %parallel_loop3A_186 : vector<1x16xf32> to vector<16xf32>
      %parallel_loop3A_188 = vector.shape_cast %parallel_loop3A_183 : vector<16xf32> to vector<1x16xf32>
      tpu.vector_store %arg14[%parallel_loop3A_184, %parallel_loop3A_185], %parallel_loop3A_188 {strides = array<i32>} : memref<128x128xf32, #tpu.memory_space<vmem>>, vector<1x16xf32>,
      %parallel_loop3A_189 = arith.index_cast %parallel_loop3A_158 : i32 to index
      %parallel_loop3A_190 = arith.constant 48 : index
      %parallel_loop3A_191 = tpu.vector_load %arg11[%parallel_loop3A_189, %parallel_loop3A_190] {strides = array<i32>} : memref<128x128xf32, #tpu.memory_space<vmem>>, vector<1x16xf32>,
      %parallel_loop3A_192 = vector.shape_cast %parallel_loop3A_191 : vector<1x16xf32> to vector<16xf32>
      %parallel_loop3A_193 = arith.mulf %parallel_loop3A_192, %parallel_loop3A_192 : vector<16xf32>
      %parallel_loop3A_194 = arith.index_cast %parallel_loop3A_158 : i32 to index
      %parallel_loop3A_195 = arith.constant 48 : index
      %parallel_loop3A_196 = tpu.vector_load %arg14[%parallel_loop3A_194, %parallel_loop3A_195] {strides = array<i32>} : memref<128x128xf32, #tpu.memory_space<vmem>>, vector<1x16xf32>,
      %parallel_loop3A_197 = vector.shape_cast %parallel_loop3A_196 : vector<1x16xf32> to vector<16xf32>
      %parallel_loop3A_198 = vector.shape_cast %parallel_loop3A_193 : vector<16xf32> to vector<1x16xf32>
      tpu.vector_store %arg14[%parallel_loop3A_194, %parallel_loop3A_195], %parallel_loop3A_198 {strides = array<i32>} : memref<128x128xf32, #tpu.memory_space<vmem>>, vector<1x16xf32>,
      %parallel_loop3A_199 = arith.index_cast %parallel_loop3A_158 : i32 to index
      %parallel_loop3A_200 = arith.constant 64 : index
      %parallel_loop3A_201 = tpu.vector_load %arg11[%parallel_loop3A_199, %parallel_loop3A_200] {strides = array<i32>} : memref<128x128xf32, #tpu.memory_space<vmem>>, vector<1x16xf32>,
      %parallel_loop3A_202 = vector.shape_cast %parallel_loop3A_201 : vector<1x16xf32> to vector<16xf32>
      %parallel_loop3A_203 = arith.mulf %parallel_loop3A_202, %parallel_loop3A_202 : vector<16xf32>
      %parallel_loop3A_204 = arith.index_cast %parallel_loop3A_158 : i32 to index
      %parallel_loop3A_205 = arith.constant 64 : index
      %parallel_loop3A_206 = tpu.vector_load %arg14[%parallel_loop3A_204, %parallel_loop3A_205] {strides = array<i32>} : memref<128x128xf32, #tpu.memory_space<vmem>>, vector<1x16xf32>,
      %parallel_loop3A_207 = vector.shape_cast %parallel_loop3A_206 : vector<1x16xf32> to vector<16xf32>
      %parallel_loop3A_208 = vector.shape_cast %parallel_loop3A_203 : vector<16xf32> to vector<1x16xf32>
      tpu.vector_store %arg14[%parallel_loop3A_204, %parallel_loop3A_205], %parallel_loop3A_208 {strides = array<i32>} : memref<128x128xf32, #tpu.memory_space<vmem>>, vector<1x16xf32>,
      %parallel_loop3A_209 = arith.index_cast %parallel_loop3A_158 : i32 to index
      %parallel_loop3A_210 = arith.constant 80 : index
      %parallel_loop3A_211 = tpu.vector_load %arg11[%parallel_loop3A_209, %parallel_loop3A_210] {strides = array<i32>} : memref<128x128xf32, #tpu.memory_space<vmem>>, vector<1x16xf32>,
      %parallel_loop3A_212 = vector.shape_cast %parallel_loop3A_211 : vector<1x16xf32> to vector<16xf32>
      %parallel_loop3A_213 = arith.mulf %parallel_loop3A_212, %parallel_loop3A_212 : vector<16xf32>
      %parallel_loop3A_214 = arith.index_cast %parallel_loop3A_158 : i32 to index
      %parallel_loop3A_215 = arith.constant 80 : index
      %parallel_loop3A_216 = tpu.vector_load %arg14[%parallel_loop3A_214, %parallel_loop3A_215] {strides = array<i32>} : memref<128x128xf32, #tpu.memory_space<vmem>>, vector<1x16xf32>,
      %parallel_loop3A_217 = vector.shape_cast %parallel_loop3A_216 : vector<1x16xf32> to vector<16xf32>
      %parallel_loop3A_218 = vector.shape_cast %parallel_loop3A_213 : vector<16xf32> to vector<1x16xf32>
      tpu.vector_store %arg14[%parallel_loop3A_214, %parallel_loop3A_215], %parallel_loop3A_218 {strides = array<i32>} : memref<128x128xf32, #tpu.memory_space<vmem>>, vector<1x16xf32>,
      %parallel_loop3A_219 = arith.index_cast %parallel_loop3A_158 : i32 to index
      %parallel_loop3A_220 = arith.constant 96 : index
      %parallel_loop3A_221 = tpu.vector_load %arg11[%parallel_loop3A_219, %parallel_loop3A_220] {strides = array<i32>} : memref<128x128xf32, #tpu.memory_space<vmem>>, vector<1x16xf32>,
      %parallel_loop3A_222 = vector.shape_cast %parallel_loop3A_221 : vector<1x16xf32> to vector<16xf32>
      %parallel_loop3A_223 = arith.mulf %parallel_loop3A_222, %parallel_loop3A_222 : vector<16xf32>
      %parallel_loop3A_224 = arith.index_cast %parallel_loop3A_158 : i32 to index
      %parallel_loop3A_225 = arith.constant 96 : index
      %parallel_loop3A_226 = tpu.vector_load %arg14[%parallel_loop3A_224, %parallel_loop3A_225] {strides = array<i32>} : memref<128x128xf32, #tpu.memory_space<vmem>>, vector<1x16xf32>,
      %parallel_loop3A_227 = vector.shape_cast %parallel_loop3A_226 : vector<1x16xf32> to vector<16xf32>
      %parallel_loop3A_228 = vector.shape_cast %parallel_loop3A_223 : vector<16xf32> to vector<1x16xf32>
      tpu.vector_store %arg14[%parallel_loop3A_224, %parallel_loop3A_225], %parallel_loop3A_228 {strides = array<i32>} : memref<128x128xf32, #tpu.memory_space<vmem>>, vector<1x16xf32>,
      %parallel_loop3A_229 = arith.index_cast %parallel_loop3A_158 : i32 to index
      %parallel_loop3A_230 = arith.constant 112 : index
      %parallel_loop3A_231 = tpu.vector_load %arg11[%parallel_loop3A_229, %parallel_loop3A_230] {strides = array<i32>} : memref<128x128xf32, #tpu.memory_space<vmem>>, vector<1x16xf32>,
      %parallel_loop3A_232 = vector.shape_cast %parallel_loop3A_231 : vector<1x16xf32> to vector<16xf32>
      %parallel_loop3A_233 = arith.mulf %parallel_loop3A_232, %parallel_loop3A_232 : vector<16xf32>
      %parallel_loop3A_234 = arith.index_cast %parallel_loop3A_158 : i32 to index
      %parallel_loop3A_235 = arith.constant 112 : index
      %parallel_loop3A_236 = tpu.vector_load %arg14[%parallel_loop3A_234, %parallel_loop3A_235] {strides = array<i32>} : memref<128x128xf32, #tpu.memory_space<vmem>>, vector<1x16xf32>,
      %parallel_loop3A_237 = vector.shape_cast %parallel_loop3A_236 : vector<1x16xf32> to vector<16xf32>
      %parallel_loop3A_238 = vector.shape_cast %parallel_loop3A_233 : vector<16xf32> to vector<1x16xf32>
      tpu.vector_store %arg14[%parallel_loop3A_234, %parallel_loop3A_235], %parallel_loop3A_238 {strides = array<i32>} : memref<128x128xf32, #tpu.memory_space<vmem>>, vector<1x16xf32>,
    } {sc.loop_unroll_factor = 4 : i64, sc.parallel_access}
    %mul3A_39 = arith.constant 512 : i32
    %mul3A_40 = arith.muli %add3A, %mul3A_39 : i32
    %add3A_41 = arith.constant 128 : i32
    %add3A_42 = arith.addi %mul3A_40, %add3A_41 : i32
    "tpu.region"() ({
      %run_scoped3A_158 = tpu.sem_alloc : memref<!tpu.dma_semaphore, #tpu.memory_space<semaphore_mem>>
      %dma_start3A_159 = tpu.memref_slice %arg3[%add3A_42] : memref<16384xi32, #tpu.memory_space<hbm>> -> memref<128xi32, #tpu.memory_space<hbm>>
      %dma_start3A_160 = tpu.memref_slice %arg3[%add3A_42] : memref<16384xi32, #tpu.memory_space<hbm>> -> memref<128xi32, #tpu.memory_space<hbm>>
      tpu.enqueue_dma source(%dma_start3A_160 : memref<128xi32, #tpu.memory_space<hbm>>) target(%arg9 : memref<128xi32, #tpu.memory_space<vmem>>) target_semaphore(%run_scoped3A_158 : memref<!tpu.dma_semaphore, #tpu.memory_space<semaphore_mem>>)
      %dma_wait3A_161 = tpu.memref_slice %arg3[%add3A_42] : memref<16384xi32, #tpu.memory_space<hbm>> -> memref<128xi32, #tpu.memory_space<hbm>>
      %dma_wait3A_162 = tpu.memref_slice %arg3[%add3A_42] : memref<16384xi32, #tpu.memory_space<hbm>> -> memref<128xi32, #tpu.memory_space<hbm>>
      tpu.wait_dma2 semaphore(%run_scoped3A_158 : memref<!tpu.dma_semaphore, #tpu.memory_space<semaphore_mem>>) src(%dma_wait3A_162 : memref<128xi32, #tpu.memory_space<hbm>>) dst(%arg9 : memref<128xi32, #tpu.memory_space<vmem>>)
      tpu.yield
    }) : () -> ()
    %dma_start3A_43 = arith.constant 0 : i32
    %dma_start3A_44 = tpu.memref_slice %arg2[%add3A_42, %dma_start3A_43] : memref<16384x128xf32, #tpu.memory_space<hbm>> -> memref<128x128xf32, #tpu.memory_space<hbm>>
    %dma_start3A_45 = arith.constant 0 : i32
    %dma_start3A_46 = tpu.memref_slice %arg2[%add3A_42, %dma_start3A_45] : memref<16384x128xf32, #tpu.memory_space<hbm>> -> memref<128x128xf32, #tpu.memory_space<hbm>>
    tpu.enqueue_dma source(%dma_start3A_46 : memref<128x128xf32, #tpu.memory_space<hbm>>) target(%arg12 : memref<128x128xf32, #tpu.memory_space<vmem>>) target_semaphore(%arg21 : memref<!tpu.dma_semaphore, #tpu.memory_space<semaphore_mem>>)
    %dma_start3A_47 = arith.constant 0 : i32
    %dma_start3A_48 = arith.constant 0 : i32
    %dma_start3A_49 = tpu.memref_slice %arg17[%dma_start3A_47, %dma_start3A_48] : memref<1024x128xf32, #tpu.memory_space<vmem_shared>> -> memref<1024x128xf32, #tpu.memory_space<vmem_shared>>
    tpu.enqueue_indirect_dma source(%arg11 : memref<128x128xf32, #tpu.memory_space<vmem>>) target(%dma_start3A_49 : memref<1024x128xf32, #tpu.memory_space<vmem_shared>>) offsets(%arg8 : memref<128xi32, #tpu.memory_space<vmem>>) semaphore(%arg23 : memref<!tpu.dma_semaphore, #tpu.memory_space<semaphore_mem>>) {add = true}
    %dma_start3A_50 = arith.constant 0 : i32
    %dma_start3A_51 = arith.constant 0 : i32
    %dma_start3A_52 = tpu.memref_slice %arg18[%dma_start3A_50, %dma_start3A_51] : memref<1024x128xf32, #tpu.memory_space<vmem_shared>> -> memref<1024x128xf32, #tpu.memory_space<vmem_shared>>
    tpu.enqueue_indirect_dma source(%arg14 : memref<128x128xf32, #tpu.memory_space<vmem>>) target(%dma_start3A_52 : memref<1024x128xf32, #tpu.memory_space<vmem_shared>>) offsets(%arg8 : memref<128xi32, #tpu.memory_space<vmem>>) semaphore(%arg23 : memref<!tpu.dma_semaphore, #tpu.memory_space<semaphore_mem>>) {add = true}
    %dma_start3A_53 = arith.constant 0 : i32
    %dma_start3A_54 = arith.constant 0 : i32
    %dma_start3A_55 = tpu.memref_slice %arg19[%dma_start3A_53, %dma_start3A_54] : memref<1024x128xf32, #tpu.memory_space<vmem_shared>> -> memref<1024x128xf32, #tpu.memory_space<vmem_shared>>
    tpu.enqueue_indirect_dma source(%arg16 : memref<128x128xf32, #tpu.memory_space<vmem>>) target(%dma_start3A_55 : memref<1024x128xf32, #tpu.memory_space<vmem_shared>>) offsets(%arg8 : memref<128xi32, #tpu.memory_space<vmem>>) semaphore(%arg23 : memref<!tpu.dma_semaphore, #tpu.memory_space<semaphore_mem>>) {add = true}
    %dma_wait3A_56 = arith.constant 0 : i32
    %dma_wait3A_57 = tpu.memref_slice %arg2[%add3A_42, %dma_wait3A_56] : memref<16384x128xf32, #tpu.memory_space<hbm>> -> memref<128x128xf32, #tpu.memory_space<hbm>>
    %dma_wait3A_58 = arith.constant 0 : i32
    %dma_wait3A_59 = tpu.memref_slice %arg2[%add3A_42, %dma_wait3A_58] : memref<16384x128xf32, #tpu.memory_space<hbm>> -> memref<128x128xf32, #tpu.memory_space<hbm>>
    tpu.wait_dma2 semaphore(%arg21 : memref<!tpu.dma_semaphore, #tpu.memory_space<semaphore_mem>>) src(%dma_wait3A_59 : memref<128x128xf32, #tpu.memory_space<hbm>>) dst(%arg12 : memref<128x128xf32, #tpu.memory_space<vmem>>)
    %parallel_loop3A_60 = arith.constant 0 : i32
    %parallel_loop3A_61 = arith.constant 128 : i32
    %parallel_loop3A_62 = arith.constant 1 : i32
    scf.for %parallel_loop3A_158 = %parallel_loop3A_60 to %parallel_loop3A_61 step %parallel_loop3A_62  : i32 {
      %parallel_loop3A_159 = arith.index_cast %parallel_loop3A_158 : i32 to index
      %parallel_loop3A_160 = arith.constant 0 : index
      %parallel_loop3A_161 = tpu.vector_load %arg12[%parallel_loop3A_159, %parallel_loop3A_160] {strides = array<i32>} : memref<128x128xf32, #tpu.memory_space<vmem>>, vector<1x16xf32>,
      %parallel_loop3A_162 = vector.shape_cast %parallel_loop3A_161 : vector<1x16xf32> to vector<16xf32>
      %parallel_loop3A_163 = arith.mulf %parallel_loop3A_162, %parallel_loop3A_162 : vector<16xf32>
      %parallel_loop3A_164 = arith.index_cast %parallel_loop3A_158 : i32 to index
      %parallel_loop3A_165 = arith.constant 0 : index
      %parallel_loop3A_166 = tpu.vector_load %arg15[%parallel_loop3A_164, %parallel_loop3A_165] {strides = array<i32>} : memref<128x128xf32, #tpu.memory_space<vmem>>, vector<1x16xf32>,
      %parallel_loop3A_167 = vector.shape_cast %parallel_loop3A_166 : vector<1x16xf32> to vector<16xf32>
      %parallel_loop3A_168 = vector.shape_cast %parallel_loop3A_163 : vector<16xf32> to vector<1x16xf32>
      tpu.vector_store %arg15[%parallel_loop3A_164, %parallel_loop3A_165], %parallel_loop3A_168 {strides = array<i32>} : memref<128x128xf32, #tpu.memory_space<vmem>>, vector<1x16xf32>,
      %parallel_loop3A_169 = arith.index_cast %parallel_loop3A_158 : i32 to index
      %parallel_loop3A_170 = arith.constant 16 : index
      %parallel_loop3A_171 = tpu.vector_load %arg12[%parallel_loop3A_169, %parallel_loop3A_170] {strides = array<i32>} : memref<128x128xf32, #tpu.memory_space<vmem>>, vector<1x16xf32>,
      %parallel_loop3A_172 = vector.shape_cast %parallel_loop3A_171 : vector<1x16xf32> to vector<16xf32>
      %parallel_loop3A_173 = arith.mulf %parallel_loop3A_172, %parallel_loop3A_172 : vector<16xf32>
      %parallel_loop3A_174 = arith.index_cast %parallel_loop3A_158 : i32 to index
      %parallel_loop3A_175 = arith.constant 16 : index
      %parallel_loop3A_176 = tpu.vector_load %arg15[%parallel_loop3A_174, %parallel_loop3A_175] {strides = array<i32>} : memref<128x128xf32, #tpu.memory_space<vmem>>, vector<1x16xf32>,
      %parallel_loop3A_177 = vector.shape_cast %parallel_loop3A_176 : vector<1x16xf32> to vector<16xf32>
      %parallel_loop3A_178 = vector.shape_cast %parallel_loop3A_173 : vector<16xf32> to vector<1x16xf32>
      tpu.vector_store %arg15[%parallel_loop3A_174, %parallel_loop3A_175], %parallel_loop3A_178 {strides = array<i32>} : memref<128x128xf32, #tpu.memory_space<vmem>>, vector<1x16xf32>,
      %parallel_loop3A_179 = arith.index_cast %parallel_loop3A_158 : i32 to index
      %parallel_loop3A_180 = arith.constant 32 : index
      %parallel_loop3A_181 = tpu.vector_load %arg12[%parallel_loop3A_179, %parallel_loop3A_180] {strides = array<i32>} : memref<128x128xf32, #tpu.memory_space<vmem>>, vector<1x16xf32>,
      %parallel_loop3A_182 = vector.shape_cast %parallel_loop3A_181 : vector<1x16xf32> to vector<16xf32>
      %parallel_loop3A_183 = arith.mulf %parallel_loop3A_182, %parallel_loop3A_182 : vector<16xf32>
      %parallel_loop3A_184 = arith.index_cast %parallel_loop3A_158 : i32 to index
      %parallel_loop3A_185 = arith.constant 32 : index
      %parallel_loop3A_186 = tpu.vector_load %arg15[%parallel_loop3A_184, %parallel_loop3A_185] {strides = array<i32>} : memref<128x128xf32, #tpu.memory_space<vmem>>, vector<1x16xf32>,
      %parallel_loop3A_187 = vector.shape_cast %parallel_loop3A_186 : vector<1x16xf32> to vector<16xf32>
      %parallel_loop3A_188 = vector.shape_cast %parallel_loop3A_183 : vector<16xf32> to vector<1x16xf32>
      tpu.vector_store %arg15[%parallel_loop3A_184, %parallel_loop3A_185], %parallel_loop3A_188 {strides = array<i32>} : memref<128x128xf32, #tpu.memory_space<vmem>>, vector<1x16xf32>,
      %parallel_loop3A_189 = arith.index_cast %parallel_loop3A_158 : i32 to index
      %parallel_loop3A_190 = arith.constant 48 : index
      %parallel_loop3A_191 = tpu.vector_load %arg12[%parallel_loop3A_189, %parallel_loop3A_190] {strides = array<i32>} : memref<128x128xf32, #tpu.memory_space<vmem>>, vector<1x16xf32>,
      %parallel_loop3A_192 = vector.shape_cast %parallel_loop3A_191 : vector<1x16xf32> to vector<16xf32>
      %parallel_loop3A_193 = arith.mulf %parallel_loop3A_192, %parallel_loop3A_192 : vector<16xf32>
      %parallel_loop3A_194 = arith.index_cast %parallel_loop3A_158 : i32 to index
      %parallel_loop3A_195 = arith.constant 48 : index
      %parallel_loop3A_196 = tpu.vector_load %arg15[%parallel_loop3A_194, %parallel_loop3A_195] {strides = array<i32>} : memref<128x128xf32, #tpu.memory_space<vmem>>, vector<1x16xf32>,
      %parallel_loop3A_197 = vector.shape_cast %parallel_loop3A_196 : vector<1x16xf32> to vector<16xf32>
      %parallel_loop3A_198 = vector.shape_cast %parallel_loop3A_193 : vector<16xf32> to vector<1x16xf32>
      tpu.vector_store %arg15[%parallel_loop3A_194, %parallel_loop3A_195], %parallel_loop3A_198 {strides = array<i32>} : memref<128x128xf32, #tpu.memory_space<vmem>>, vector<1x16xf32>,
      %parallel_loop3A_199 = arith.index_cast %parallel_loop3A_158 : i32 to index
      %parallel_loop3A_200 = arith.constant 64 : index
      %parallel_loop3A_201 = tpu.vector_load %arg12[%parallel_loop3A_199, %parallel_loop3A_200] {strides = array<i32>} : memref<128x128xf32, #tpu.memory_space<vmem>>, vector<1x16xf32>,
      %parallel_loop3A_202 = vector.shape_cast %parallel_loop3A_201 : vector<1x16xf32> to vector<16xf32>
      %parallel_loop3A_203 = arith.mulf %parallel_loop3A_202, %parallel_loop3A_202 : vector<16xf32>
      %parallel_loop3A_204 = arith.index_cast %parallel_loop3A_158 : i32 to index
      %parallel_loop3A_205 = arith.constant 64 : index
      %parallel_loop3A_206 = tpu.vector_load %arg15[%parallel_loop3A_204, %parallel_loop3A_205] {strides = array<i32>} : memref<128x128xf32, #tpu.memory_space<vmem>>, vector<1x16xf32>,
      %parallel_loop3A_207 = vector.shape_cast %parallel_loop3A_206 : vector<1x16xf32> to vector<16xf32>
      %parallel_loop3A_208 = vector.shape_cast %parallel_loop3A_203 : vector<16xf32> to vector<1x16xf32>
      tpu.vector_store %arg15[%parallel_loop3A_204, %parallel_loop3A_205], %parallel_loop3A_208 {strides = array<i32>} : memref<128x128xf32, #tpu.memory_space<vmem>>, vector<1x16xf32>,
      %parallel_loop3A_209 = arith.index_cast %parallel_loop3A_158 : i32 to index
      %parallel_loop3A_210 = arith.constant 80 : index
      %parallel_loop3A_211 = tpu.vector_load %arg12[%parallel_loop3A_209, %parallel_loop3A_210] {strides = array<i32>} : memref<128x128xf32, #tpu.memory_space<vmem>>, vector<1x16xf32>,
      %parallel_loop3A_212 = vector.shape_cast %parallel_loop3A_211 : vector<1x16xf32> to vector<16xf32>
      %parallel_loop3A_213 = arith.mulf %parallel_loop3A_212, %parallel_loop3A_212 : vector<16xf32>
      %parallel_loop3A_214 = arith.index_cast %parallel_loop3A_158 : i32 to index
      %parallel_loop3A_215 = arith.constant 80 : index
      %parallel_loop3A_216 = tpu.vector_load %arg15[%parallel_loop3A_214, %parallel_loop3A_215] {strides = array<i32>} : memref<128x128xf32, #tpu.memory_space<vmem>>, vector<1x16xf32>,
      %parallel_loop3A_217 = vector.shape_cast %parallel_loop3A_216 : vector<1x16xf32> to vector<16xf32>
      %parallel_loop3A_218 = vector.shape_cast %parallel_loop3A_213 : vector<16xf32> to vector<1x16xf32>
      tpu.vector_store %arg15[%parallel_loop3A_214, %parallel_loop3A_215], %parallel_loop3A_218 {strides = array<i32>} : memref<128x128xf32, #tpu.memory_space<vmem>>, vector<1x16xf32>,
      %parallel_loop3A_219 = arith.index_cast %parallel_loop3A_158 : i32 to index
      %parallel_loop3A_220 = arith.constant 96 : index
      %parallel_loop3A_221 = tpu.vector_load %arg12[%parallel_loop3A_219, %parallel_loop3A_220] {strides = array<i32>} : memref<128x128xf32, #tpu.memory_space<vmem>>, vector<1x16xf32>,
      %parallel_loop3A_222 = vector.shape_cast %parallel_loop3A_221 : vector<1x16xf32> to vector<16xf32>
      %parallel_loop3A_223 = arith.mulf %parallel_loop3A_222, %parallel_loop3A_222 : vector<16xf32>
      %parallel_loop3A_224 = arith.index_cast %parallel_loop3A_158 : i32 to index
      %parallel_loop3A_225 = arith.constant 96 : index
      %parallel_loop3A_226 = tpu.vector_load %arg15[%parallel_loop3A_224, %parallel_loop3A_225] {strides = array<i32>} : memref<128x128xf32, #tpu.memory_space<vmem>>, vector<1x16xf32>,
      %parallel_loop3A_227 = vector.shape_cast %parallel_loop3A_226 : vector<1x16xf32> to vector<16xf32>
      %parallel_loop3A_228 = vector.shape_cast %parallel_loop3A_223 : vector<16xf32> to vector<1x16xf32>
      tpu.vector_store %arg15[%parallel_loop3A_224, %parallel_loop3A_225], %parallel_loop3A_228 {strides = array<i32>} : memref<128x128xf32, #tpu.memory_space<vmem>>, vector<1x16xf32>,
      %parallel_loop3A_229 = arith.index_cast %parallel_loop3A_158 : i32 to index
      %parallel_loop3A_230 = arith.constant 112 : index
      %parallel_loop3A_231 = tpu.vector_load %arg12[%parallel_loop3A_229, %parallel_loop3A_230] {strides = array<i32>} : memref<128x128xf32, #tpu.memory_space<vmem>>, vector<1x16xf32>,
      %parallel_loop3A_232 = vector.shape_cast %parallel_loop3A_231 : vector<1x16xf32> to vector<16xf32>
      %parallel_loop3A_233 = arith.mulf %parallel_loop3A_232, %parallel_loop3A_232 : vector<16xf32>
      %parallel_loop3A_234 = arith.index_cast %parallel_loop3A_158 : i32 to index
      %parallel_loop3A_235 = arith.constant 112 : index
      %parallel_loop3A_236 = tpu.vector_load %arg15[%parallel_loop3A_234, %parallel_loop3A_235] {strides = array<i32>} : memref<128x128xf32, #tpu.memory_space<vmem>>, vector<1x16xf32>,
      %parallel_loop3A_237 = vector.shape_cast %parallel_loop3A_236 : vector<1x16xf32> to vector<16xf32>
      %parallel_loop3A_238 = vector.shape_cast %parallel_loop3A_233 : vector<16xf32> to vector<1x16xf32>
      tpu.vector_store %arg15[%parallel_loop3A_234, %parallel_loop3A_235], %parallel_loop3A_238 {strides = array<i32>} : memref<128x128xf32, #tpu.memory_space<vmem>>, vector<1x16xf32>,
    } {sc.loop_unroll_factor = 4 : i64, sc.parallel_access}
    %mul3A_63 = arith.constant 512 : i32
    %mul3A_64 = arith.muli %add3A, %mul3A_63 : i32
    %add3A_65 = arith.constant 256 : i32
    %add3A_66 = arith.addi %mul3A_64, %add3A_65 : i32
    "tpu.region"() ({
      %run_scoped3A_158 = tpu.sem_alloc : memref<!tpu.dma_semaphore, #tpu.memory_space<semaphore_mem>>
      %dma_start3A_159 = tpu.memref_slice %arg3[%add3A_66] : memref<16384xi32, #tpu.memory_space<hbm>> -> memref<128xi32, #tpu.memory_space<hbm>>
      %dma_start3A_160 = tpu.memref_slice %arg3[%add3A_66] : memref<16384xi32, #tpu.memory_space<hbm>> -> memref<128xi32, #tpu.memory_space<hbm>>
      tpu.enqueue_dma source(%dma_start3A_160 : memref<128xi32, #tpu.memory_space<hbm>>) target(%arg10 : memref<128xi32, #tpu.memory_space<vmem>>) target_semaphore(%run_scoped3A_158 : memref<!tpu.dma_semaphore, #tpu.memory_space<semaphore_mem>>)
      %dma_wait3A_161 = tpu.memref_slice %arg3[%add3A_66] : memref<16384xi32, #tpu.memory_space<hbm>> -> memref<128xi32, #tpu.memory_space<hbm>>
      %dma_wait3A_162 = tpu.memref_slice %arg3[%add3A_66] : memref<16384xi32, #tpu.memory_space<hbm>> -> memref<128xi32, #tpu.memory_space<hbm>>
      tpu.wait_dma2 semaphore(%run_scoped3A_158 : memref<!tpu.dma_semaphore, #tpu.memory_space<semaphore_mem>>) src(%dma_wait3A_162 : memref<128xi32, #tpu.memory_space<hbm>>) dst(%arg10 : memref<128xi32, #tpu.memory_space<vmem>>)
      tpu.yield
    }) : () -> ()
    %dma_start3A_67 = arith.constant 0 : i32
    %dma_start3A_68 = tpu.memref_slice %arg2[%add3A_66, %dma_start3A_67] : memref<16384x128xf32, #tpu.memory_space<hbm>> -> memref<128x128xf32, #tpu.memory_space<hbm>>
    %dma_start3A_69 = arith.constant 0 : i32
    %dma_start3A_70 = tpu.memref_slice %arg2[%add3A_66, %dma_start3A_69] : memref<16384x128xf32, #tpu.memory_space<hbm>> -> memref<128x128xf32, #tpu.memory_space<hbm>>
    tpu.enqueue_dma source(%dma_start3A_70 : memref<128x128xf32, #tpu.memory_space<hbm>>) target(%arg13 : memref<128x128xf32, #tpu.memory_space<vmem>>) target_semaphore(%arg22 : memref<!tpu.dma_semaphore, #tpu.memory_space<semaphore_mem>>)
    %dma_start3A_71 = arith.constant 0 : i32
    %dma_start3A_72 = arith.constant 0 : i32
    %dma_start3A_73 = tpu.memref_slice %arg17[%dma_start3A_71, %dma_start3A_72] : memref<1024x128xf32, #tpu.memory_space<vmem_shared>> -> memref<1024x128xf32, #tpu.memory_space<vmem_shared>>
    tpu.enqueue_indirect_dma source(%arg12 : memref<128x128xf32, #tpu.memory_space<vmem>>) target(%dma_start3A_73 : memref<1024x128xf32, #tpu.memory_space<vmem_shared>>) offsets(%arg9 : memref<128xi32, #tpu.memory_space<vmem>>) semaphore(%arg24 : memref<!tpu.dma_semaphore, #tpu.memory_space<semaphore_mem>>) {add = true}
    %dma_start3A_74 = arith.constant 0 : i32
    %dma_start3A_75 = arith.constant 0 : i32
    %dma_start3A_76 = tpu.memref_slice %arg18[%dma_start3A_74, %dma_start3A_75] : memref<1024x128xf32, #tpu.memory_space<vmem_shared>> -> memref<1024x128xf32, #tpu.memory_space<vmem_shared>>
    tpu.enqueue_indirect_dma source(%arg15 : memref<128x128xf32, #tpu.memory_space<vmem>>) target(%dma_start3A_76 : memref<1024x128xf32, #tpu.memory_space<vmem_shared>>) offsets(%arg9 : memref<128xi32, #tpu.memory_space<vmem>>) semaphore(%arg24 : memref<!tpu.dma_semaphore, #tpu.memory_space<semaphore_mem>>) {add = true}
    %dma_start3A_77 = arith.constant 0 : i32
    %dma_start3A_78 = arith.constant 0 : i32
    %dma_start3A_79 = tpu.memref_slice %arg19[%dma_start3A_77, %dma_start3A_78] : memref<1024x128xf32, #tpu.memory_space<vmem_shared>> -> memref<1024x128xf32, #tpu.memory_space<vmem_shared>>
    tpu.enqueue_indirect_dma source(%arg16 : memref<128x128xf32, #tpu.memory_space<vmem>>) target(%dma_start3A_79 : memref<1024x128xf32, #tpu.memory_space<vmem_shared>>) offsets(%arg9 : memref<128xi32, #tpu.memory_space<vmem>>) semaphore(%arg24 : memref<!tpu.dma_semaphore, #tpu.memory_space<semaphore_mem>>) {add = true}
    %dma_wait3A_80 = arith.constant 0 : i32
    %dma_wait3A_81 = arith.constant 0 : i32
    %dma_wait3A_82 = tpu.memref_slice %arg17[%dma_wait3A_80, %dma_wait3A_81] : memref<1024x128xf32, #tpu.memory_space<vmem_shared>> -> memref<1024x128xf32, #tpu.memory_space<vmem_shared>>
    tpu.wait_indirect_dma semaphore(%arg23 : memref<!tpu.dma_semaphore, #tpu.memory_space<semaphore_mem>>) src(%arg11 : memref<128x128xf32, #tpu.memory_space<vmem>>) dst(%dma_wait3A_82 : memref<1024x128xf32, #tpu.memory_space<vmem_shared>>)
    %dma_wait3A_83 = arith.constant 0 : i32
    %dma_wait3A_84 = arith.constant 0 : i32
    %dma_wait3A_85 = tpu.memref_slice %arg18[%dma_wait3A_83, %dma_wait3A_84] : memref<1024x128xf32, #tpu.memory_space<vmem_shared>> -> memref<1024x128xf32, #tpu.memory_space<vmem_shared>>
    tpu.wait_indirect_dma semaphore(%arg23 : memref<!tpu.dma_semaphore, #tpu.memory_space<semaphore_mem>>) src(%arg14 : memref<128x128xf32, #tpu.memory_space<vmem>>) dst(%dma_wait3A_85 : memref<1024x128xf32, #tpu.memory_space<vmem_shared>>)
    %dma_wait3A_86 = arith.constant 0 : i32
    %dma_wait3A_87 = arith.constant 0 : i32
    %dma_wait3A_88 = tpu.memref_slice %arg19[%dma_wait3A_86, %dma_wait3A_87] : memref<1024x128xf32, #tpu.memory_space<vmem_shared>> -> memref<1024x128xf32, #tpu.memory_space<vmem_shared>>
    tpu.wait_indirect_dma semaphore(%arg23 : memref<!tpu.dma_semaphore, #tpu.memory_space<semaphore_mem>>) src(%arg16 : memref<128x128xf32, #tpu.memory_space<vmem>>) dst(%dma_wait3A_88 : memref<1024x128xf32, #tpu.memory_space<vmem_shared>>)
    %dma_wait3A_89 = arith.constant 0 : i32
    %dma_wait3A_90 = tpu.memref_slice %arg2[%add3A_66, %dma_wait3A_89] : memref<16384x128xf32, #tpu.memory_space<hbm>> -> memref<128x128xf32, #tpu.memory_space<hbm>>
    %dma_wait3A_91 = arith.constant 0 : i32
    %dma_wait3A_92 = tpu.memref_slice %arg2[%add3A_66, %dma_wait3A_91] : memref<16384x128xf32, #tpu.memory_space<hbm>> -> memref<128x128xf32, #tpu.memory_space<hbm>>
    tpu.wait_dma2 semaphore(%arg22 : memref<!tpu.dma_semaphore, #tpu.memory_space<semaphore_mem>>) src(%dma_wait3A_92 : memref<128x128xf32, #tpu.memory_space<hbm>>) dst(%arg13 : memref<128x128xf32, #tpu.memory_space<vmem>>)
    %parallel_loop3A_93 = arith.constant 0 : i32
    %parallel_loop3A_94 = arith.constant 128 : i32
    %parallel_loop3A_95 = arith.constant 1 : i32
    scf.for %parallel_loop3A_158 = %parallel_loop3A_93 to %parallel_loop3A_94 step %parallel_loop3A_95  : i32 {
      %parallel_loop3A_159 = arith.index_cast %parallel_loop3A_158 : i32 to index
      %parallel_loop3A_160 = arith.constant 0 : index
      %parallel_loop3A_161 = tpu.vector_load %arg13[%parallel_loop3A_159, %parallel_loop3A_160] {strides = array<i32>} : memref<128x128xf32, #tpu.memory_space<vmem>>, vector<1x16xf32>,
      %parallel_loop3A_162 = vector.shape_cast %parallel_loop3A_161 : vector<1x16xf32> to vector<16xf32>
      %parallel_loop3A_163 = arith.mulf %parallel_loop3A_162, %parallel_loop3A_162 : vector<16xf32>
      %parallel_loop3A_164 = arith.index_cast %parallel_loop3A_158 : i32 to index
      %parallel_loop3A_165 = arith.constant 0 : index
      %parallel_loop3A_166 = tpu.vector_load %arg14[%parallel_loop3A_164, %parallel_loop3A_165] {strides = array<i32>} : memref<128x128xf32, #tpu.memory_space<vmem>>, vector<1x16xf32>,
      %parallel_loop3A_167 = vector.shape_cast %parallel_loop3A_166 : vector<1x16xf32> to vector<16xf32>
      %parallel_loop3A_168 = vector.shape_cast %parallel_loop3A_163 : vector<16xf32> to vector<1x16xf32>
      tpu.vector_store %arg14[%parallel_loop3A_164, %parallel_loop3A_165], %parallel_loop3A_168 {strides = array<i32>} : memref<128x128xf32, #tpu.memory_space<vmem>>, vector<1x16xf32>,
      %parallel_loop3A_169 = arith.index_cast %parallel_loop3A_158 : i32 to index
      %parallel_loop3A_170 = arith.constant 16 : index
      %parallel_loop3A_171 = tpu.vector_load %arg13[%parallel_loop3A_169, %parallel_loop3A_170] {strides = array<i32>} : memref<128x128xf32, #tpu.memory_space<vmem>>, vector<1x16xf32>,
      %parallel_loop3A_172 = vector.shape_cast %parallel_loop3A_171 : vector<1x16xf32> to vector<16xf32>
      %parallel_loop3A_173 = arith.mulf %parallel_loop3A_172, %parallel_loop3A_172 : vector<16xf32>
      %parallel_loop3A_174 = arith.index_cast %parallel_loop3A_158 : i32 to index
      %parallel_loop3A_175 = arith.constant 16 : index
      %parallel_loop3A_176 = tpu.vector_load %arg14[%parallel_loop3A_174, %parallel_loop3A_175] {strides = array<i32>} : memref<128x128xf32, #tpu.memory_space<vmem>>, vector<1x16xf32>,
      %parallel_loop3A_177 = vector.shape_cast %parallel_loop3A_176 : vector<1x16xf32> to vector<16xf32>
      %parallel_loop3A_178 = vector.shape_cast %parallel_loop3A_173 : vector<16xf32> to vector<1x16xf32>
      tpu.vector_store %arg14[%parallel_loop3A_174, %parallel_loop3A_175], %parallel_loop3A_178 {strides = array<i32>} : memref<128x128xf32, #tpu.memory_space<vmem>>, vector<1x16xf32>,
      %parallel_loop3A_179 = arith.index_cast %parallel_loop3A_158 : i32 to index
      %parallel_loop3A_180 = arith.constant 32 : index
      %parallel_loop3A_181 = tpu.vector_load %arg13[%parallel_loop3A_179, %parallel_loop3A_180] {strides = array<i32>} : memref<128x128xf32, #tpu.memory_space<vmem>>, vector<1x16xf32>,
      %parallel_loop3A_182 = vector.shape_cast %parallel_loop3A_181 : vector<1x16xf32> to vector<16xf32>
      %parallel_loop3A_183 = arith.mulf %parallel_loop3A_182, %parallel_loop3A_182 : vector<16xf32>
      %parallel_loop3A_184 = arith.index_cast %parallel_loop3A_158 : i32 to index
      %parallel_loop3A_185 = arith.constant 32 : index
      %parallel_loop3A_186 = tpu.vector_load %arg14[%parallel_loop3A_184, %parallel_loop3A_185] {strides = array<i32>} : memref<128x128xf32, #tpu.memory_space<vmem>>, vector<1x16xf32>,
      %parallel_loop3A_187 = vector.shape_cast %parallel_loop3A_186 : vector<1x16xf32> to vector<16xf32>
      %parallel_loop3A_188 = vector.shape_cast %parallel_loop3A_183 : vector<16xf32> to vector<1x16xf32>
      tpu.vector_store %arg14[%parallel_loop3A_184, %parallel_loop3A_185], %parallel_loop3A_188 {strides = array<i32>} : memref<128x128xf32, #tpu.memory_space<vmem>>, vector<1x16xf32>,
      %parallel_loop3A_189 = arith.index_cast %parallel_loop3A_158 : i32 to index
      %parallel_loop3A_190 = arith.constant 48 : index
      %parallel_loop3A_191 = tpu.vector_load %arg13[%parallel_loop3A_189, %parallel_loop3A_190] {strides = array<i32>} : memref<128x128xf32, #tpu.memory_space<vmem>>, vector<1x16xf32>,
      %parallel_loop3A_192 = vector.shape_cast %parallel_loop3A_191 : vector<1x16xf32> to vector<16xf32>
      %parallel_loop3A_193 = arith.mulf %parallel_loop3A_192, %parallel_loop3A_192 : vector<16xf32>
      %parallel_loop3A_194 = arith.index_cast %parallel_loop3A_158 : i32 to index
      %parallel_loop3A_195 = arith.constant 48 : index
      %parallel_loop3A_196 = tpu.vector_load %arg14[%parallel_loop3A_194, %parallel_loop3A_195] {strides = array<i32>} : memref<128x128xf32, #tpu.memory_space<vmem>>, vector<1x16xf32>,
      %parallel_loop3A_197 = vector.shape_cast %parallel_loop3A_196 : vector<1x16xf32> to vector<16xf32>
      %parallel_loop3A_198 = vector.shape_cast %parallel_loop3A_193 : vector<16xf32> to vector<1x16xf32>
      tpu.vector_store %arg14[%parallel_loop3A_194, %parallel_loop3A_195], %parallel_loop3A_198 {strides = array<i32>} : memref<128x128xf32, #tpu.memory_space<vmem>>, vector<1x16xf32>,
      %parallel_loop3A_199 = arith.index_cast %parallel_loop3A_158 : i32 to index
      %parallel_loop3A_200 = arith.constant 64 : index
      %parallel_loop3A_201 = tpu.vector_load %arg13[%parallel_loop3A_199, %parallel_loop3A_200] {strides = array<i32>} : memref<128x128xf32, #tpu.memory_space<vmem>>, vector<1x16xf32>,
      %parallel_loop3A_202 = vector.shape_cast %parallel_loop3A_201 : vector<1x16xf32> to vector<16xf32>
      %parallel_loop3A_203 = arith.mulf %parallel_loop3A_202, %parallel_loop3A_202 : vector<16xf32>
      %parallel_loop3A_204 = arith.index_cast %parallel_loop3A_158 : i32 to index
      %parallel_loop3A_205 = arith.constant 64 : index
      %parallel_loop3A_206 = tpu.vector_load %arg14[%parallel_loop3A_204, %parallel_loop3A_205] {strides = array<i32>} : memref<128x128xf32, #tpu.memory_space<vmem>>, vector<1x16xf32>,
      %parallel_loop3A_207 = vector.shape_cast %parallel_loop3A_206 : vector<1x16xf32> to vector<16xf32>
      %parallel_loop3A_208 = vector.shape_cast %parallel_loop3A_203 : vector<16xf32> to vector<1x16xf32>
      tpu.vector_store %arg14[%parallel_loop3A_204, %parallel_loop3A_205], %parallel_loop3A_208 {strides = array<i32>} : memref<128x128xf32, #tpu.memory_space<vmem>>, vector<1x16xf32>,
      %parallel_loop3A_209 = arith.index_cast %parallel_loop3A_158 : i32 to index
      %parallel_loop3A_210 = arith.constant 80 : index
      %parallel_loop3A_211 = tpu.vector_load %arg13[%parallel_loop3A_209, %parallel_loop3A_210] {strides = array<i32>} : memref<128x128xf32, #tpu.memory_space<vmem>>, vector<1x16xf32>,
      %parallel_loop3A_212 = vector.shape_cast %parallel_loop3A_211 : vector<1x16xf32> to vector<16xf32>
      %parallel_loop3A_213 = arith.mulf %parallel_loop3A_212, %parallel_loop3A_212 : vector<16xf32>
      %parallel_loop3A_214 = arith.index_cast %parallel_loop3A_158 : i32 to index
      %parallel_loop3A_215 = arith.constant 80 : index
      %parallel_loop3A_216 = tpu.vector_load %arg14[%parallel_loop3A_214, %parallel_loop3A_215] {strides = array<i32>} : memref<128x128xf32, #tpu.memory_space<vmem>>, vector<1x16xf32>,
      %parallel_loop3A_217 = vector.shape_cast %parallel_loop3A_216 : vector<1x16xf32> to vector<16xf32>
      %parallel_loop3A_218 = vector.shape_cast %parallel_loop3A_213 : vector<16xf32> to vector<1x16xf32>
      tpu.vector_store %arg14[%parallel_loop3A_214, %parallel_loop3A_215], %parallel_loop3A_218 {strides = array<i32>} : memref<128x128xf32, #tpu.memory_space<vmem>>, vector<1x16xf32>,
      %parallel_loop3A_219 = arith.index_cast %parallel_loop3A_158 : i32 to index
      %parallel_loop3A_220 = arith.constant 96 : index
      %parallel_loop3A_221 = tpu.vector_load %arg13[%parallel_loop3A_219, %parallel_loop3A_220] {strides = array<i32>} : memref<128x128xf32, #tpu.memory_space<vmem>>, vector<1x16xf32>,
      %parallel_loop3A_222 = vector.shape_cast %parallel_loop3A_221 : vector<1x16xf32> to vector<16xf32>
      %parallel_loop3A_223 = arith.mulf %parallel_loop3A_222, %parallel_loop3A_222 : vector<16xf32>
      %parallel_loop3A_224 = arith.index_cast %parallel_loop3A_158 : i32 to index
      %parallel_loop3A_225 = arith.constant 96 : index
      %parallel_loop3A_226 = tpu.vector_load %arg14[%parallel_loop3A_224, %parallel_loop3A_225] {strides = array<i32>} : memref<128x128xf32, #tpu.memory_space<vmem>>, vector<1x16xf32>,
      %parallel_loop3A_227 = vector.shape_cast %parallel_loop3A_226 : vector<1x16xf32> to vector<16xf32>
      %parallel_loop3A_228 = vector.shape_cast %parallel_loop3A_223 : vector<16xf32> to vector<1x16xf32>
      tpu.vector_store %arg14[%parallel_loop3A_224, %parallel_loop3A_225], %parallel_loop3A_228 {strides = array<i32>} : memref<128x128xf32, #tpu.memory_space<vmem>>, vector<1x16xf32>,
      %parallel_loop3A_229 = arith.index_cast %parallel_loop3A_158 : i32 to index
      %parallel_loop3A_230 = arith.constant 112 : index
      %parallel_loop3A_231 = tpu.vector_load %arg13[%parallel_loop3A_229, %parallel_loop3A_230] {strides = array<i32>} : memref<128x128xf32, #tpu.memory_space<vmem>>, vector<1x16xf32>,
      %parallel_loop3A_232 = vector.shape_cast %parallel_loop3A_231 : vector<1x16xf32> to vector<16xf32>
      %parallel_loop3A_233 = arith.mulf %parallel_loop3A_232, %parallel_loop3A_232 : vector<16xf32>
      %parallel_loop3A_234 = arith.index_cast %parallel_loop3A_158 : i32 to index
      %parallel_loop3A_235 = arith.constant 112 : index
      %parallel_loop3A_236 = tpu.vector_load %arg14[%parallel_loop3A_234, %parallel_loop3A_235] {strides = array<i32>} : memref<128x128xf32, #tpu.memory_space<vmem>>, vector<1x16xf32>,
      %parallel_loop3A_237 = vector.shape_cast %parallel_loop3A_236 : vector<1x16xf32> to vector<16xf32>
      %parallel_loop3A_238 = vector.shape_cast %parallel_loop3A_233 : vector<16xf32> to vector<1x16xf32>
      tpu.vector_store %arg14[%parallel_loop3A_234, %parallel_loop3A_235], %parallel_loop3A_238 {strides = array<i32>} : memref<128x128xf32, #tpu.memory_space<vmem>>, vector<1x16xf32>,
    } {sc.loop_unroll_factor = 4 : i64, sc.parallel_access}
    %mul3A_96 = arith.constant 512 : i32
    %mul3A_97 = arith.muli %add3A, %mul3A_96 : i32
    %add3A_98 = arith.constant 384 : i32
    %add3A_99 = arith.addi %mul3A_97, %add3A_98 : i32
    "tpu.region"() ({
      %run_scoped3A_158 = tpu.sem_alloc : memref<!tpu.dma_semaphore, #tpu.memory_space<semaphore_mem>>
      %dma_start3A_159 = tpu.memref_slice %arg3[%add3A_99] : memref<16384xi32, #tpu.memory_space<hbm>> -> memref<128xi32, #tpu.memory_space<hbm>>
      %dma_start3A_160 = tpu.memref_slice %arg3[%add3A_99] : memref<16384xi32, #tpu.memory_space<hbm>> -> memref<128xi32, #tpu.memory_space<hbm>>
      tpu.enqueue_dma source(%dma_start3A_160 : memref<128xi32, #tpu.memory_space<hbm>>) target(%arg8 : memref<128xi32, #tpu.memory_space<vmem>>) target_semaphore(%run_scoped3A_158 : memref<!tpu.dma_semaphore, #tpu.memory_space<semaphore_mem>>)
      %dma_wait3A_161 = tpu.memref_slice %arg3[%add3A_99] : memref<16384xi32, #tpu.memory_space<hbm>> -> memref<128xi32, #tpu.memory_space<hbm>>
      %dma_wait3A_162 = tpu.memref_slice %arg3[%add3A_99] : memref<16384xi32, #tpu.memory_space<hbm>> -> memref<128xi32, #tpu.memory_space<hbm>>
      tpu.wait_dma2 semaphore(%run_scoped3A_158 : memref<!tpu.dma_semaphore, #tpu.memory_space<semaphore_mem>>) src(%dma_wait3A_162 : memref<128xi32, #tpu.memory_space<hbm>>) dst(%arg8 : memref<128xi32, #tpu.memory_space<vmem>>)
      tpu.yield
    }) : () -> ()
    %dma_start3A_100 = arith.constant 0 : i32
    %dma_start3A_101 = tpu.memref_slice %arg2[%add3A_99, %dma_start3A_100] : memref<16384x128xf32, #tpu.memory_space<hbm>> -> memref<128x128xf32, #tpu.memory_space<hbm>>
    %dma_start3A_102 = arith.constant 0 : i32
    %dma_start3A_103 = tpu.memref_slice %arg2[%add3A_99, %dma_start3A_102] : memref<16384x128xf32, #tpu.memory_space<hbm>> -> memref<128x128xf32, #tpu.memory_space<hbm>>
    tpu.enqueue_dma source(%dma_start3A_103 : memref<128x128xf32, #tpu.memory_space<hbm>>) target(%arg11 : memref<128x128xf32, #tpu.memory_space<vmem>>) target_semaphore(%arg20 : memref<!tpu.dma_semaphore, #tpu.memory_space<semaphore_mem>>)
    %dma_start3A_104 = arith.constant 0 : i32
    %dma_start3A_105 = arith.constant 0 : i32
    %dma_start3A_106 = tpu.memref_slice %arg17[%dma_start3A_104, %dma_start3A_105] : memref<1024x128xf32, #tpu.memory_space<vmem_shared>> -> memref<1024x128xf32, #tpu.memory_space<vmem_shared>>
    tpu.enqueue_indirect_dma source(%arg13 : memref<128x128xf32, #tpu.memory_space<vmem>>) target(%dma_start3A_106 : memref<1024x128xf32, #tpu.memory_space<vmem_shared>>) offsets(%arg10 : memref<128xi32, #tpu.memory_space<vmem>>) semaphore(%arg25 : memref<!tpu.dma_semaphore, #tpu.memory_space<semaphore_mem>>) {add = true}
    %dma_start3A_107 = arith.constant 0 : i32
    %dma_start3A_108 = arith.constant 0 : i32
    %dma_start3A_109 = tpu.memref_slice %arg18[%dma_start3A_107, %dma_start3A_108] : memref<1024x128xf32, #tpu.memory_space<vmem_shared>> -> memref<1024x128xf32, #tpu.memory_space<vmem_shared>>
    tpu.enqueue_indirect_dma source(%arg14 : memref<128x128xf32, #tpu.memory_space<vmem>>) target(%dma_start3A_109 : memref<1024x128xf32, #tpu.memory_space<vmem_shared>>) offsets(%arg10 : memref<128xi32, #tpu.memory_space<vmem>>) semaphore(%arg25 : memref<!tpu.dma_semaphore, #tpu.memory_space<semaphore_mem>>) {add = true}
    %dma_start3A_110 = arith.constant 0 : i32
    %dma_start3A_111 = arith.constant 0 : i32
    %dma_start3A_112 = tpu.memref_slice %arg19[%dma_start3A_110, %dma_start3A_111] : memref<1024x128xf32, #tpu.memory_space<vmem_shared>> -> memref<1024x128xf32, #tpu.memory_space<vmem_shared>>
    tpu.enqueue_indirect_dma source(%arg16 : memref<128x128xf32, #tpu.memory_space<vmem>>) target(%dma_start3A_112 : memref<1024x128xf32, #tpu.memory_space<vmem_shared>>) offsets(%arg10 : memref<128xi32, #tpu.memory_space<vmem>>) semaphore(%arg25 : memref<!tpu.dma_semaphore, #tpu.memory_space<semaphore_mem>>) {add = true}
    %dma_wait3A_113 = arith.constant 0 : i32
    %dma_wait3A_114 = arith.constant 0 : i32
    %dma_wait3A_115 = tpu.memref_slice %arg17[%dma_wait3A_113, %dma_wait3A_114] : memref<1024x128xf32, #tpu.memory_space<vmem_shared>> -> memref<1024x128xf32, #tpu.memory_space<vmem_shared>>
    tpu.wait_indirect_dma semaphore(%arg24 : memref<!tpu.dma_semaphore, #tpu.memory_space<semaphore_mem>>) src(%arg12 : memref<128x128xf32, #tpu.memory_space<vmem>>) dst(%dma_wait3A_115 : memref<1024x128xf32, #tpu.memory_space<vmem_shared>>)
    %dma_wait3A_116 = arith.constant 0 : i32
    %dma_wait3A_117 = arith.constant 0 : i32
    %dma_wait3A_118 = tpu.memref_slice %arg18[%dma_wait3A_116, %dma_wait3A_117] : memref<1024x128xf32, #tpu.memory_space<vmem_shared>> -> memref<1024x128xf32, #tpu.memory_space<vmem_shared>>
    tpu.wait_indirect_dma semaphore(%arg24 : memref<!tpu.dma_semaphore, #tpu.memory_space<semaphore_mem>>) src(%arg15 : memref<128x128xf32, #tpu.memory_space<vmem>>) dst(%dma_wait3A_118 : memref<1024x128xf32, #tpu.memory_space<vmem_shared>>)
    %dma_wait3A_119 = arith.constant 0 : i32
    %dma_wait3A_120 = arith.constant 0 : i32
    %dma_wait3A_121 = tpu.memref_slice %arg19[%dma_wait3A_119, %dma_wait3A_120] : memref<1024x128xf32, #tpu.memory_space<vmem_shared>> -> memref<1024x128xf32, #tpu.memory_space<vmem_shared>>
    tpu.wait_indirect_dma semaphore(%arg24 : memref<!tpu.dma_semaphore, #tpu.memory_space<semaphore_mem>>) src(%arg16 : memref<128x128xf32, #tpu.memory_space<vmem>>) dst(%dma_wait3A_121 : memref<1024x128xf32, #tpu.memory_space<vmem_shared>>)
    %dma_wait3A_122 = arith.constant 0 : i32
    %dma_wait3A_123 = tpu.memref_slice %arg2[%add3A_99, %dma_wait3A_122] : memref<16384x128xf32, #tpu.memory_space<hbm>> -> memref<128x128xf32, #tpu.memory_space<hbm>>
    %dma_wait3A_124 = arith.constant 0 : i32
    %dma_wait3A_125 = tpu.memref_slice %arg2[%add3A_99, %dma_wait3A_124] : memref<16384x128xf32, #tpu.memory_space<hbm>> -> memref<128x128xf32, #tpu.memory_space<hbm>>
    tpu.wait_dma2 semaphore(%arg20 : memref<!tpu.dma_semaphore, #tpu.memory_space<semaphore_mem>>) src(%dma_wait3A_125 : memref<128x128xf32, #tpu.memory_space<hbm>>) dst(%arg11 : memref<128x128xf32, #tpu.memory_space<vmem>>)
    %parallel_loop3A_126 = arith.constant 0 : i32
    %parallel_loop3A_127 = arith.constant 128 : i32
    %parallel_loop3A_128 = arith.constant 1 : i32
    scf.for %parallel_loop3A_158 = %parallel_loop3A_126 to %parallel_loop3A_127 step %parallel_loop3A_128  : i32 {
      %parallel_loop3A_159 = arith.index_cast %parallel_loop3A_158 : i32 to index
      %parallel_loop3A_160 = arith.constant 0 : index
      %parallel_loop3A_161 = tpu.vector_load %arg11[%parallel_loop3A_159, %parallel_loop3A_160] {strides = array<i32>} : memref<128x128xf32, #tpu.memory_space<vmem>>, vector<1x16xf32>,
      %parallel_loop3A_162 = vector.shape_cast %parallel_loop3A_161 : vector<1x16xf32> to vector<16xf32>
      %parallel_loop3A_163 = arith.mulf %parallel_loop3A_162, %parallel_loop3A_162 : vector<16xf32>
      %parallel_loop3A_164 = arith.index_cast %parallel_loop3A_158 : i32 to index
      %parallel_loop3A_165 = arith.constant 0 : index
      %parallel_loop3A_166 = tpu.vector_load %arg15[%parallel_loop3A_164, %parallel_loop3A_165] {strides = array<i32>} : memref<128x128xf32, #tpu.memory_space<vmem>>, vector<1x16xf32>,
      %parallel_loop3A_167 = vector.shape_cast %parallel_loop3A_166 : vector<1x16xf32> to vector<16xf32>
      %parallel_loop3A_168 = vector.shape_cast %parallel_loop3A_163 : vector<16xf32> to vector<1x16xf32>
      tpu.vector_store %arg15[%parallel_loop3A_164, %parallel_loop3A_165], %parallel_loop3A_168 {strides = array<i32>} : memref<128x128xf32, #tpu.memory_space<vmem>>, vector<1x16xf32>,
      %parallel_loop3A_169 = arith.index_cast %parallel_loop3A_158 : i32 to index
      %parallel_loop3A_170 = arith.constant 16 : index
      %parallel_loop3A_171 = tpu.vector_load %arg11[%parallel_loop3A_169, %parallel_loop3A_170] {strides = array<i32>} : memref<128x128xf32, #tpu.memory_space<vmem>>, vector<1x16xf32>,
      %parallel_loop3A_172 = vector.shape_cast %parallel_loop3A_171 : vector<1x16xf32> to vector<16xf32>
      %parallel_loop3A_173 = arith.mulf %parallel_loop3A_172, %parallel_loop3A_172 : vector<16xf32>
      %parallel_loop3A_174 = arith.index_cast %parallel_loop3A_158 : i32 to index
      %parallel_loop3A_175 = arith.constant 16 : index
      %parallel_loop3A_176 = tpu.vector_load %arg15[%parallel_loop3A_174, %parallel_loop3A_175] {strides = array<i32>} : memref<128x128xf32, #tpu.memory_space<vmem>>, vector<1x16xf32>,
      %parallel_loop3A_177 = vector.shape_cast %parallel_loop3A_176 : vector<1x16xf32> to vector<16xf32>
      %parallel_loop3A_178 = vector.shape_cast %parallel_loop3A_173 : vector<16xf32> to vector<1x16xf32>
      tpu.vector_store %arg15[%parallel_loop3A_174, %parallel_loop3A_175], %parallel_loop3A_178 {strides = array<i32>} : memref<128x128xf32, #tpu.memory_space<vmem>>, vector<1x16xf32>,
      %parallel_loop3A_179 = arith.index_cast %parallel_loop3A_158 : i32 to index
      %parallel_loop3A_180 = arith.constant 32 : index
      %parallel_loop3A_181 = tpu.vector_load %arg11[%parallel_loop3A_179, %parallel_loop3A_180] {strides = array<i32>} : memref<128x128xf32, #tpu.memory_space<vmem>>, vector<1x16xf32>,
      %parallel_loop3A_182 = vector.shape_cast %parallel_loop3A_181 : vector<1x16xf32> to vector<16xf32>
      %parallel_loop3A_183 = arith.mulf %parallel_loop3A_182, %parallel_loop3A_182 : vector<16xf32>
      %parallel_loop3A_184 = arith.index_cast %parallel_loop3A_158 : i32 to index
      %parallel_loop3A_185 = arith.constant 32 : index
      %parallel_loop3A_186 = tpu.vector_load %arg15[%parallel_loop3A_184, %parallel_loop3A_185] {strides = array<i32>} : memref<128x128xf32, #tpu.memory_space<vmem>>, vector<1x16xf32>,
      %parallel_loop3A_187 = vector.shape_cast %parallel_loop3A_186 : vector<1x16xf32> to vector<16xf32>
      %parallel_loop3A_188 = vector.shape_cast %parallel_loop3A_183 : vector<16xf32> to vector<1x16xf32>
      tpu.vector_store %arg15[%parallel_loop3A_184, %parallel_loop3A_185], %parallel_loop3A_188 {strides = array<i32>} : memref<128x128xf32, #tpu.memory_space<vmem>>, vector<1x16xf32>,
      %parallel_loop3A_189 = arith.index_cast %parallel_loop3A_158 : i32 to index
      %parallel_loop3A_190 = arith.constant 48 : index
      %parallel_loop3A_191 = tpu.vector_load %arg11[%parallel_loop3A_189, %parallel_loop3A_190] {strides = array<i32>} : memref<128x128xf32, #tpu.memory_space<vmem>>, vector<1x16xf32>,
      %parallel_loop3A_192 = vector.shape_cast %parallel_loop3A_191 : vector<1x16xf32> to vector<16xf32>
      %parallel_loop3A_193 = arith.mulf %parallel_loop3A_192, %parallel_loop3A_192 : vector<16xf32>
      %parallel_loop3A_194 = arith.index_cast %parallel_loop3A_158 : i32 to index
      %parallel_loop3A_195 = arith.constant 48 : index
      %parallel_loop3A_196 = tpu.vector_load %arg15[%parallel_loop3A_194, %parallel_loop3A_195] {strides = array<i32>} : memref<128x128xf32, #tpu.memory_space<vmem>>, vector<1x16xf32>,
      %parallel_loop3A_197 = vector.shape_cast %parallel_loop3A_196 : vector<1x16xf32> to vector<16xf32>
      %parallel_loop3A_198 = vector.shape_cast %parallel_loop3A_193 : vector<16xf32> to vector<1x16xf32>
      tpu.vector_store %arg15[%parallel_loop3A_194, %parallel_loop3A_195], %parallel_loop3A_198 {strides = array<i32>} : memref<128x128xf32, #tpu.memory_space<vmem>>, vector<1x16xf32>,
      %parallel_loop3A_199 = arith.index_cast %parallel_loop3A_158 : i32 to index
      %parallel_loop3A_200 = arith.constant 64 : index
      %parallel_loop3A_201 = tpu.vector_load %arg11[%parallel_loop3A_199, %parallel_loop3A_200] {strides = array<i32>} : memref<128x128xf32, #tpu.memory_space<vmem>>, vector<1x16xf32>,
      %parallel_loop3A_202 = vector.shape_cast %parallel_loop3A_201 : vector<1x16xf32> to vector<16xf32>
      %parallel_loop3A_203 = arith.mulf %parallel_loop3A_202, %parallel_loop3A_202 : vector<16xf32>
      %parallel_loop3A_204 = arith.index_cast %parallel_loop3A_158 : i32 to index
      %parallel_loop3A_205 = arith.constant 64 : index
      %parallel_loop3A_206 = tpu.vector_load %arg15[%parallel_loop3A_204, %parallel_loop3A_205] {strides = array<i32>} : memref<128x128xf32, #tpu.memory_space<vmem>>, vector<1x16xf32>,
      %parallel_loop3A_207 = vector.shape_cast %parallel_loop3A_206 : vector<1x16xf32> to vector<16xf32>
      %parallel_loop3A_208 = vector.shape_cast %parallel_loop3A_203 : vector<16xf32> to vector<1x16xf32>
      tpu.vector_store %arg15[%parallel_loop3A_204, %parallel_loop3A_205], %parallel_loop3A_208 {strides = array<i32>} : memref<128x128xf32, #tpu.memory_space<vmem>>, vector<1x16xf32>,
      %parallel_loop3A_209 = arith.index_cast %parallel_loop3A_158 : i32 to index
      %parallel_loop3A_210 = arith.constant 80 : index
      %parallel_loop3A_211 = tpu.vector_load %arg11[%parallel_loop3A_209, %parallel_loop3A_210] {strides = array<i32>} : memref<128x128xf32, #tpu.memory_space<vmem>>, vector<1x16xf32>,
      %parallel_loop3A_212 = vector.shape_cast %parallel_loop3A_211 : vector<1x16xf32> to vector<16xf32>
      %parallel_loop3A_213 = arith.mulf %parallel_loop3A_212, %parallel_loop3A_212 : vector<16xf32>
      %parallel_loop3A_214 = arith.index_cast %parallel_loop3A_158 : i32 to index
      %parallel_loop3A_215 = arith.constant 80 : index
      %parallel_loop3A_216 = tpu.vector_load %arg15[%parallel_loop3A_214, %parallel_loop3A_215] {strides = array<i32>} : memref<128x128xf32, #tpu.memory_space<vmem>>, vector<1x16xf32>,
      %parallel_loop3A_217 = vector.shape_cast %parallel_loop3A_216 : vector<1x16xf32> to vector<16xf32>
      %parallel_loop3A_218 = vector.shape_cast %parallel_loop3A_213 : vector<16xf32> to vector<1x16xf32>
      tpu.vector_store %arg15[%parallel_loop3A_214, %parallel_loop3A_215], %parallel_loop3A_218 {strides = array<i32>} : memref<128x128xf32, #tpu.memory_space<vmem>>, vector<1x16xf32>,
      %parallel_loop3A_219 = arith.index_cast %parallel_loop3A_158 : i32 to index
      %parallel_loop3A_220 = arith.constant 96 : index
      %parallel_loop3A_221 = tpu.vector_load %arg11[%parallel_loop3A_219, %parallel_loop3A_220] {strides = array<i32>} : memref<128x128xf32, #tpu.memory_space<vmem>>, vector<1x16xf32>,
      %parallel_loop3A_222 = vector.shape_cast %parallel_loop3A_221 : vector<1x16xf32> to vector<16xf32>
      %parallel_loop3A_223 = arith.mulf %parallel_loop3A_222, %parallel_loop3A_222 : vector<16xf32>
      %parallel_loop3A_224 = arith.index_cast %parallel_loop3A_158 : i32 to index
      %parallel_loop3A_225 = arith.constant 96 : index
      %parallel_loop3A_226 = tpu.vector_load %arg15[%parallel_loop3A_224, %parallel_loop3A_225] {strides = array<i32>} : memref<128x128xf32, #tpu.memory_space<vmem>>, vector<1x16xf32>,
      %parallel_loop3A_227 = vector.shape_cast %parallel_loop3A_226 : vector<1x16xf32> to vector<16xf32>
      %parallel_loop3A_228 = vector.shape_cast %parallel_loop3A_223 : vector<16xf32> to vector<1x16xf32>
      tpu.vector_store %arg15[%parallel_loop3A_224, %parallel_loop3A_225], %parallel_loop3A_228 {strides = array<i32>} : memref<128x128xf32, #tpu.memory_space<vmem>>, vector<1x16xf32>,
      %parallel_loop3A_229 = arith.index_cast %parallel_loop3A_158 : i32 to index
      %parallel_loop3A_230 = arith.constant 112 : index
      %parallel_loop3A_231 = tpu.vector_load %arg11[%parallel_loop3A_229, %parallel_loop3A_230] {strides = array<i32>} : memref<128x128xf32, #tpu.memory_space<vmem>>, vector<1x16xf32>,
      %parallel_loop3A_232 = vector.shape_cast %parallel_loop3A_231 : vector<1x16xf32> to vector<16xf32>
      %parallel_loop3A_233 = arith.mulf %parallel_loop3A_232, %parallel_loop3A_232 : vector<16xf32>
      %parallel_loop3A_234 = arith.index_cast %parallel_loop3A_158 : i32 to index
      %parallel_loop3A_235 = arith.constant 112 : index
      %parallel_loop3A_236 = tpu.vector_load %arg15[%parallel_loop3A_234, %parallel_loop3A_235] {strides = array<i32>} : memref<128x128xf32, #tpu.memory_space<vmem>>, vector<1x16xf32>,
      %parallel_loop3A_237 = vector.shape_cast %parallel_loop3A_236 : vector<1x16xf32> to vector<16xf32>
      %parallel_loop3A_238 = vector.shape_cast %parallel_loop3A_233 : vector<16xf32> to vector<1x16xf32>
      tpu.vector_store %arg15[%parallel_loop3A_234, %parallel_loop3A_235], %parallel_loop3A_238 {strides = array<i32>} : memref<128x128xf32, #tpu.memory_space<vmem>>, vector<1x16xf32>,
    } {sc.loop_unroll_factor = 4 : i64, sc.parallel_access}
    %dma_start3A_129 = arith.constant 0 : i32
    %dma_start3A_130 = arith.constant 0 : i32
    %dma_start3A_131 = tpu.memref_slice %arg17[%dma_start3A_129, %dma_start3A_130] : memref<1024x128xf32, #tpu.memory_space<vmem_shared>> -> memref<1024x128xf32, #tpu.memory_space<vmem_shared>>
    tpu.enqueue_indirect_dma source(%arg11 : memref<128x128xf32, #tpu.memory_space<vmem>>) target(%dma_start3A_131 : memref<1024x128xf32, #tpu.memory_space<vmem_shared>>) offsets(%arg8 : memref<128xi32, #tpu.memory_space<vmem>>) semaphore(%arg23 : memref<!tpu.dma_semaphore, #tpu.memory_space<semaphore_mem>>) {add = true}
    %dma_start3A_132 = arith.constant 0 : i32
    %dma_start3A_133 = arith.constant 0 : i32
    %dma_start3A_134 = tpu.memref_slice %arg18[%dma_start3A_132, %dma_start3A_133] : memref<1024x128xf32, #tpu.memory_space<vmem_shared>> -> memref<1024x128xf32, #tpu.memory_space<vmem_shared>>
    tpu.enqueue_indirect_dma source(%arg15 : memref<128x128xf32, #tpu.memory_space<vmem>>) target(%dma_start3A_134 : memref<1024x128xf32, #tpu.memory_space<vmem_shared>>) offsets(%arg8 : memref<128xi32, #tpu.memory_space<vmem>>) semaphore(%arg23 : memref<!tpu.dma_semaphore, #tpu.memory_space<semaphore_mem>>) {add = true}
    %dma_start3A_135 = arith.constant 0 : i32
    %dma_start3A_136 = arith.constant 0 : i32
    %dma_start3A_137 = tpu.memref_slice %arg19[%dma_start3A_135, %dma_start3A_136] : memref<1024x128xf32, #tpu.memory_space<vmem_shared>> -> memref<1024x128xf32, #tpu.memory_space<vmem_shared>>
    tpu.enqueue_indirect_dma source(%arg16 : memref<128x128xf32, #tpu.memory_space<vmem>>) target(%dma_start3A_137 : memref<1024x128xf32, #tpu.memory_space<vmem_shared>>) offsets(%arg8 : memref<128xi32, #tpu.memory_space<vmem>>) semaphore(%arg23 : memref<!tpu.dma_semaphore, #tpu.memory_space<semaphore_mem>>) {add = true}
    %dma_wait3A_138 = arith.constant 0 : i32
    %dma_wait3A_139 = arith.constant 0 : i32
    %dma_wait3A_140 = tpu.memref_slice %arg17[%dma_wait3A_138, %dma_wait3A_139] : memref<1024x128xf32, #tpu.memory_space<vmem_shared>> -> memref<1024x128xf32, #tpu.memory_space<vmem_shared>>
    tpu.wait_indirect_dma semaphore(%arg25 : memref<!tpu.dma_semaphore, #tpu.memory_space<semaphore_mem>>) src(%arg13 : memref<128x128xf32, #tpu.memory_space<vmem>>) dst(%dma_wait3A_140 : memref<1024x128xf32, #tpu.memory_space<vmem_shared>>)
    %dma_wait3A_141 = arith.constant 0 : i32
    %dma_wait3A_142 = arith.constant 0 : i32
    %dma_wait3A_143 = tpu.memref_slice %arg18[%dma_wait3A_141, %dma_wait3A_142] : memref<1024x128xf32, #tpu.memory_space<vmem_shared>> -> memref<1024x128xf32, #tpu.memory_space<vmem_shared>>
    tpu.wait_indirect_dma semaphore(%arg25 : memref<!tpu.dma_semaphore, #tpu.memory_space<semaphore_mem>>) src(%arg14 : memref<128x128xf32, #tpu.memory_space<vmem>>) dst(%dma_wait3A_143 : memref<1024x128xf32, #tpu.memory_space<vmem_shared>>)
    %dma_wait3A_144 = arith.constant 0 : i32
    %dma_wait3A_145 = arith.constant 0 : i32
    %dma_wait3A_146 = tpu.memref_slice %arg19[%dma_wait3A_144, %dma_wait3A_145] : memref<1024x128xf32, #tpu.memory_space<vmem_shared>> -> memref<1024x128xf32, #tpu.memory_space<vmem_shared>>
    tpu.wait_indirect_dma semaphore(%arg25 : memref<!tpu.dma_semaphore, #tpu.memory_space<semaphore_mem>>) src(%arg16 : memref<128x128xf32, #tpu.memory_space<vmem>>) dst(%dma_wait3A_146 : memref<1024x128xf32, #tpu.memory_space<vmem_shared>>)
    %dma_wait3A_147 = arith.constant 0 : i32
    %dma_wait3A_148 = arith.constant 0 : i32
    %dma_wait3A_149 = tpu.memref_slice %arg17[%dma_wait3A_147, %dma_wait3A_148] : memref<1024x128xf32, #tpu.memory_space<vmem_shared>> -> memref<1024x128xf32, #tpu.memory_space<vmem_shared>>
    tpu.wait_indirect_dma semaphore(%arg23 : memref<!tpu.dma_semaphore, #tpu.memory_space<semaphore_mem>>) src(%arg11 : memref<128x128xf32, #tpu.memory_space<vmem>>) dst(%dma_wait3A_149 : memref<1024x128xf32, #tpu.memory_space<vmem_shared>>)
    %dma_wait3A_150 = arith.constant 0 : i32
    %dma_wait3A_151 = arith.constant 0 : i32
    %dma_wait3A_152 = tpu.memref_slice %arg18[%dma_wait3A_150, %dma_wait3A_151] : memref<1024x128xf32, #tpu.memory_space<vmem_shared>> -> memref<1024x128xf32, #tpu.memory_space<vmem_shared>>
    tpu.wait_indirect_dma semaphore(%arg23 : memref<!tpu.dma_semaphore, #tpu.memory_space<semaphore_mem>>) src(%arg15 : memref<128x128xf32, #tpu.memory_space<vmem>>) dst(%dma_wait3A_152 : memref<1024x128xf32, #tpu.memory_space<vmem_shared>>)
    %dma_wait3A_153 = arith.constant 0 : i32
    %dma_wait3A_154 = arith.constant 0 : i32
    %dma_wait3A_155 = tpu.memref_slice %arg19[%dma_wait3A_153, %dma_wait3A_154] : memref<1024x128xf32, #tpu.memory_space<vmem_shared>> -> memref<1024x128xf32, #tpu.memory_space<vmem_shared>>
    tpu.wait_indirect_dma semaphore(%arg23 : memref<!tpu.dma_semaphore, #tpu.memory_space<semaphore_mem>>) src(%arg16 : memref<128x128xf32, #tpu.memory_space<vmem>>) dst(%dma_wait3A_155 : memref<1024x128xf32, #tpu.memory_space<vmem_shared>>)
    %barrier3A_156 = arith.constant 0 : index
    tpu.barrier barrier_id(%barrier3A_156)
    %run_scoped3A = arith.constant 0 : i32
    "tpu.region"() ({
      %run_scoped3A_158 = tpu.sem_alloc : memref<!tpu.dma_semaphore, #tpu.memory_space<semaphore_mem>>
      %dma_start3A_159 = arith.constant 0 : i32
      %dma_start3A_160 = tpu.memref_slice %arg6[%run_scoped3A, %arg0, %mul3A_9, %dma_start3A_159] : memref<2x2x1024x128xf32, #tpu.memory_space<hbm>> -> memref<1x1x64x128xf32, #tpu.memory_space<hbm>>
      %dma_start3A_161 = tpu.memref_squeeze %dma_start3A_160 : memref<1x1x64x128xf32, #tpu.memory_space<hbm>> -> memref<64x128xf32, #tpu.memory_space<hbm>>
      %dma_start3A_162 = arith.constant 0 : i32
      %dma_start3A_163 = tpu.memref_slice %arg17[%mul3A_9, %dma_start3A_162] : memref<1024x128xf32, #tpu.memory_space<vmem_shared>> -> memref<64x128xf32, #tpu.memory_space<vmem_shared>>
      tpu.enqueue_dma source(%dma_start3A_163 : memref<64x128xf32, #tpu.memory_space<vmem_shared>>) target(%dma_start3A_161 : memref<64x128xf32, #tpu.memory_space<hbm>>) target_semaphore(%run_scoped3A_158 : memref<!tpu.dma_semaphore, #tpu.memory_space<semaphore_mem>>)
      %dma_wait3A_164 = arith.constant 0 : i32
      %dma_wait3A_165 = tpu.memref_slice %arg6[%run_scoped3A, %arg0, %mul3A_9, %dma_wait3A_164] : memref<2x2x1024x128xf32, #tpu.memory_space<hbm>> -> memref<1x1x64x128xf32, #tpu.memory_space<hbm>>
      %dma_wait3A_166 = tpu.memref_squeeze %dma_wait3A_165 : memref<1x1x64x128xf32, #tpu.memory_space<hbm>> -> memref<64x128xf32, #tpu.memory_space<hbm>>
      %dma_wait3A_167 = arith.constant 0 : i32
      %dma_wait3A_168 = tpu.memref_slice %arg17[%mul3A_9, %dma_wait3A_167] : memref<1024x128xf32, #tpu.memory_space<vmem_shared>> -> memref<64x128xf32, #tpu.memory_space<vmem_shared>>
      tpu.wait_dma2 semaphore(%run_scoped3A_158 : memref<!tpu.dma_semaphore, #tpu.memory_space<semaphore_mem>>) src(%dma_wait3A_168 : memref<64x128xf32, #tpu.memory_space<vmem_shared>>) dst(%dma_wait3A_166 : memref<64x128xf32, #tpu.memory_space<hbm>>)
      tpu.yield
    }) : () -> ()
    %run_scoped3A_157 = arith.constant 1 : i32
    "tpu.region"() ({
      %run_scoped3A_158 = tpu.sem_alloc : memref<!tpu.dma_semaphore, #tpu.memory_space<semaphore_mem>>
      %dma_start3A_159 = arith.constant 0 : i32
      %dma_start3A_160 = tpu.memref_slice %arg6[%run_scoped3A_157, %arg0, %mul3A_9, %dma_start3A_159] : memref<2x2x1024x128xf32, #tpu.memory_space<hbm>> -> memref<1x1x64x128xf32, #tpu.memory_space<hbm>>
      %dma_start3A_161 = tpu.memref_squeeze %dma_start3A_160 : memref<1x1x64x128xf32, #tpu.memory_space<hbm>> -> memref<64x128xf32, #tpu.memory_space<hbm>>
      %dma_start3A_162 = arith.constant 0 : i32
      %dma_start3A_163 = tpu.memref_slice %arg18[%mul3A_9, %dma_start3A_162] : memref<1024x128xf32, #tpu.memory_space<vmem_shared>> -> memref<64x128xf32, #tpu.memory_space<vmem_shared>>
      tpu.enqueue_dma source(%dma_start3A_163 : memref<64x128xf32, #tpu.memory_space<vmem_shared>>) target(%dma_start3A_161 : memref<64x128xf32, #tpu.memory_space<hbm>>) target_semaphore(%run_scoped3A_158 : memref<!tpu.dma_semaphore, #tpu.memory_space<semaphore_mem>>)
      %dma_wait3A_164 = arith.constant 0 : i32
      %dma_wait3A_165 = tpu.memref_slice %arg6[%run_scoped3A_157, %arg0, %mul3A_9, %dma_wait3A_164] : memref<2x2x1024x128xf32, #tpu.memory_space<hbm>> -> memref<1x1x64x128xf32, #tpu.memory_space<hbm>>
      %dma_wait3A_166 = tpu.memref_squeeze %dma_wait3A_165 : memref<1x1x64x128xf32, #tpu.memory_space<hbm>> -> memref<64x128xf32, #tpu.memory_space<hbm>>
      %dma_wait3A_167 = arith.constant 0 : i32
      %dma_wait3A_168 = tpu.memref_slice %arg18[%mul3A_9, %dma_wait3A_167] : memref<1024x128xf32, #tpu.memory_space<vmem_shared>> -> memref<64x128xf32, #tpu.memory_space<vmem_shared>>
      tpu.wait_dma2 semaphore(%run_scoped3A_158 : memref<!tpu.dma_semaphore, #tpu.memory_space<semaphore_mem>>) src(%dma_wait3A_168 : memref<64x128xf32, #tpu.memory_space<vmem_shared>>) dst(%dma_wait3A_166 : memref<64x128xf32, #tpu.memory_space<hbm>>)
      tpu.yield
    }) : () -> ()
    "tpu.region"() ({
      %run_scoped3A_158 = tpu.sem_alloc : memref<!tpu.dma_semaphore, #tpu.memory_space<semaphore_mem>>
      %dma_start3A_159 = arith.constant 0 : i32
      %dma_start3A_160 = tpu.memref_slice %arg7[%arg0, %mul3A_9, %dma_start3A_159] : memref<2x1024x128xf32, #tpu.memory_space<hbm>> -> memref<1x64x128xf32, #tpu.memory_space<hbm>>
      %dma_start3A_161 = tpu.memref_squeeze %dma_start3A_160 : memref<1x64x128xf32, #tpu.memory_space<hbm>> -> memref<64x128xf32, #tpu.memory_space<hbm>>
      %dma_start3A_162 = arith.constant 0 : i32
      %dma_start3A_163 = tpu.memref_slice %arg19[%mul3A_9, %dma_start3A_162] : memref<1024x128xf32, #tpu.memory_space<vmem_shared>> -> memref<64x128xf32, #tpu.memory_space<vmem_shared>>
      tpu.enqueue_dma source(%dma_start3A_163 : memref<64x128xf32, #tpu.memory_space<vmem_shared>>) target(%dma_start3A_161 : memref<64x128xf32, #tpu.memory_space<hbm>>) target_semaphore(%run_scoped3A_158 : memref<!tpu.dma_semaphore, #tpu.memory_space<semaphore_mem>>)
      %dma_wait3A_164 = arith.constant 0 : i32
      %dma_wait3A_165 = tpu.memref_slice %arg7[%arg0, %mul3A_9, %dma_wait3A_164] : memref<2x1024x128xf32, #tpu.memory_space<hbm>> -> memref<1x64x128xf32, #tpu.memory_space<hbm>>
      %dma_wait3A_166 = tpu.memref_squeeze %dma_wait3A_165 : memref<1x64x128xf32, #tpu.memory_space<hbm>> -> memref<64x128xf32, #tpu.memory_space<hbm>>
      %dma_wait3A_167 = arith.constant 0 : i32
      %dma_wait3A_168 = tpu.memref_slice %arg19[%mul3A_9, %dma_wait3A_167] : memref<1024x128xf32, #tpu.memory_space<vmem_shared>> -> memref<64x128xf32, #tpu.memory_space<vmem_shared>>
      tpu.wait_dma2 semaphore(%run_scoped3A_158 : memref<!tpu.dma_semaphore, #tpu.memory_space<semaphore_mem>>) src(%dma_wait3A_168 : memref<64x128xf32, #tpu.memory_space<vmem_shared>>) dst(%dma_wait3A_166 : memref<64x128xf32, #tpu.memory_space<hbm>>)
      tpu.yield
    }) : () -> ()
    return
  }
}

module attributes {stable_mosaic.version = 14 : i64} {
  func.func @_tc_finish(%arg0: memref<2x2x1024x128xf32, #tpu.memory_space<vmem>>, %arg1: memref<2x1024x128xf32, #tpu.memory_space<vmem>>, %arg2: memref<1000x128xf32, #tpu.memory_space<vmem>>, %arg3: memref<1x1xf32, #tpu.memory_space<vmem>>) attributes {dimension_semantics = [], scalar_prefetch = 0 : i64, scratch_operands = 0 : i64, tpu.core_type = #tpu.core_type<tc>} {
    %get3A = arith.constant 0 : index
    %get3A_0 = arith.constant 0 : index
    %get3A_1 = arith.constant 0 : index
    %get3A_2 = arith.constant 0 : index
    %get3A_3 = vector.load %arg0[%get3A, %get3A_0, %get3A_1, %get3A_2] : memref<2x2x1024x128xf32, #tpu.memory_space<vmem>>, vector<1x1x1024x128xf32>
    %get3A_4 = vector.shape_cast %get3A_3 : vector<1x1x1024x128xf32> to vector<1024x128xf32>
    %get3A_5 = arith.constant 0 : index
    %get3A_6 = arith.constant 1 : index
    %get3A_7 = arith.constant 0 : index
    %get3A_8 = arith.constant 0 : index
    %get3A_9 = vector.load %arg0[%get3A_5, %get3A_6, %get3A_7, %get3A_8] : memref<2x2x1024x128xf32, #tpu.memory_space<vmem>>, vector<1x1x1024x128xf32>
    %get3A_10 = vector.shape_cast %get3A_9 : vector<1x1x1024x128xf32> to vector<1024x128xf32>
    %add3A = arith.addf %get3A_4, %get3A_10 : vector<1024x128xf32>
    %slice3A = vector.extract_strided_slice %add3A {offsets = [0, 0], sizes = [1000, 128], strides = [1, 1]} : vector<1024x128xf32> to vector<1000x128xf32>
    %get3A_11 = arith.constant 1 : index
    %get3A_12 = arith.constant 0 : index
    %get3A_13 = arith.constant 0 : index
    %get3A_14 = arith.constant 0 : index
    %get3A_15 = vector.load %arg0[%get3A_11, %get3A_12, %get3A_13, %get3A_14] : memref<2x2x1024x128xf32, #tpu.memory_space<vmem>>, vector<1x1x1024x128xf32>
    %get3A_16 = vector.shape_cast %get3A_15 : vector<1x1x1024x128xf32> to vector<1024x128xf32>
    %get3A_17 = arith.constant 1 : index
    %get3A_18 = arith.constant 1 : index
    %get3A_19 = arith.constant 0 : index
    %get3A_20 = arith.constant 0 : index
    %get3A_21 = vector.load %arg0[%get3A_17, %get3A_18, %get3A_19, %get3A_20] : memref<2x2x1024x128xf32, #tpu.memory_space<vmem>>, vector<1x1x1024x128xf32>
    %get3A_22 = vector.shape_cast %get3A_21 : vector<1x1x1024x128xf32> to vector<1024x128xf32>
    %add3A_23 = arith.addf %get3A_16, %get3A_22 : vector<1024x128xf32>
    %slice3A_24 = vector.extract_strided_slice %add3A_23 {offsets = [0, 0], sizes = [1000, 128], strides = [1, 1]} : vector<1024x128xf32> to vector<1000x128xf32>
    %reduce_sum3A = arith.constant dense<0.000000e+00> : vector<1000xf32>
    %reduce_sum3A_25 = vector.multi_reduction <add>, %slice3A_24, %reduce_sum3A [1] : vector<1000x128xf32> to vector<1000xf32>
    %broadcast_in_dim3A = vector.shape_cast %reduce_sum3A_25 : vector<1000xf32> to vector<1000x1xf32>
    %get3A_26 = arith.constant 0 : index
    %get3A_27 = arith.constant 0 : index
    %get3A_28 = arith.constant 0 : index
    %get3A_29 = vector.load %arg1[%get3A_26, %get3A_27, %get3A_28] : memref<2x1024x128xf32, #tpu.memory_space<vmem>>, vector<1x1024x1xf32>
    %get3A_30 = vector.shape_cast %get3A_29 : vector<1x1024x1xf32> to vector<1024x1xf32>
    %get3A_31 = arith.constant 1 : index
    %get3A_32 = arith.constant 0 : index
    %get3A_33 = arith.constant 0 : index
    %get3A_34 = vector.load %arg1[%get3A_31, %get3A_32, %get3A_33] : memref<2x1024x128xf32, #tpu.memory_space<vmem>>, vector<1x1024x1xf32>
    %get3A_35 = vector.shape_cast %get3A_34 : vector<1x1024x1xf32> to vector<1024x1xf32>
    %add3A_36 = arith.addf %get3A_30, %get3A_35 : vector<1024x1xf32>
    %slice3A_37 = vector.extract_strided_slice %add3A_36 {offsets = [0, 0], sizes = [1000, 1], strides = [1, 1]} : vector<1024x1xf32> to vector<1000x1xf32>
    %get3A_38 = arith.constant 0 : index
    %get3A_39 = arith.constant 0 : index
    %get3A_40 = vector.load %arg2[%get3A_38, %get3A_39] : memref<1000x128xf32, #tpu.memory_space<vmem>>, vector<1000x128xf32>
    %mul3A = arith.mulf %get3A_40, %slice3A : vector<1000x128xf32>
    %reduce_sum3A_41 = arith.constant dense<0.000000e+00> : vector<1000xf32>
    %reduce_sum3A_42 = vector.multi_reduction <add>, %mul3A, %reduce_sum3A_41 [1] : vector<1000x128xf32> to vector<1000xf32>
    %broadcast_in_dim3A_43 = vector.shape_cast %reduce_sum3A_42 : vector<1000xf32> to vector<1000x1xf32>
    %mul3A_44 = arith.mulf %get3A_40, %get3A_40 : vector<1000x128xf32>
    %reduce_sum3A_45 = arith.constant dense<0.000000e+00> : vector<1000xf32>
    %reduce_sum3A_46 = vector.multi_reduction <add>, %mul3A_44, %reduce_sum3A_45 [1] : vector<1000x128xf32> to vector<1000xf32>
    %broadcast_in_dim3A_47 = vector.shape_cast %reduce_sum3A_46 : vector<1000xf32> to vector<1000x1xf32>
    %gt3A = arith.constant 0.000000e+00 : f32
    %gt3A_48 = vector.broadcast %gt3A : f32 to vector<1000x1xf32>
    %gt3A_49 = arith.cmpf ogt, %slice3A_37, %gt3A_48 : vector<1000x1xf32>
    %mul3A_50 = arith.constant 2.000000e+00 : f32
    %mul3A_51 = vector.broadcast %mul3A_50 : f32 to vector<1000x1xf32>
    %mul3A_52 = arith.mulf %mul3A_51, %broadcast_in_dim3A_43 : vector<1000x1xf32>
    %sub3A = arith.subf %broadcast_in_dim3A, %mul3A_52 : vector<1000x1xf32>
    %max3A = arith.constant 1.000000e+00 : f32
    %max3A_53 = vector.broadcast %max3A : f32 to vector<1000x1xf32>
    %max3A_54 = arith.maximumf %slice3A_37, %max3A_53 : vector<1000x1xf32>
    %div3A = arith.divf %sub3A, %max3A_54 : vector<1000x1xf32>
    %add3A_55 = arith.addf %div3A, %broadcast_in_dim3A_47 : vector<1000x1xf32>
    %jit3A = arith.constant 0.000000e+00 : f32
    %broadcast_in_dim3A_56 = vector.broadcast %jit3A : f32 to vector<1000x1xf32>
    %select_n3A = arith.select %gt3A_49, %add3A_55, %broadcast_in_dim3A_56 : vector<1000x1xi1>, vector<1000x1xf32>
    %reduce_sum3A_57 = vector.shape_cast %select_n3A : vector<1000x1xf32> to vector<1x1000x1xf32>
    %reduce_sum3A_58 = arith.constant dense<0.000000e+00> : vector<1xf32>
    %reduce_sum3A_59 = vector.multi_reduction <add>, %reduce_sum3A_57, %reduce_sum3A_58 [1, 2] : vector<1x1000x1xf32> to vector<1xf32>
    %reduce_sum3A_60 = vector.shape_cast %reduce_sum3A_59 : vector<1xf32> to vector<1x1x1xf32>
    %reduce_sum3A_61 = vector.extract %reduce_sum3A_60[0, 0, 0] : f32 from vector<1x1x1xf32>
    %reshape3A = vector.broadcast %reduce_sum3A_61 : f32 to vector<1x1xf32>
    %swap3A = arith.constant 0 : index
    %swap3A_62 = arith.constant 0 : index
    %swap3A_63 = vector.load %arg3[%swap3A, %swap3A_62] : memref<1x1xf32, #tpu.memory_space<vmem>>, vector<1x1xf32>
    tpu.vector_store %arg3[%swap3A, %swap3A_62], %reshape3A {strides = array<i32>} : memref<1x1xf32, #tpu.memory_space<vmem>>, vector<1x1xf32>,
    return
  }
}

</mosaic_0001>

<sc_bundles>
// kernel: kernel.4.cloned.1.call-start
scs
__scs_entry_jumppad:
0x0: {  	(pc) =	sbr.rel $0x88, $3  }
0x1: {  	(tag) =	ssettag $0x0;
	lr =	simm.s32 $0x1  }
0x2: {  	[smem:$0x3F9E] =	sst lr;
	_ =	strace $0xD0000000  }
0x3: {  	_ = 	snop  }
0x4: {  	_ = 	snop  }
0x5: {  	_ = 	snop  }
0x6: {  	_ = 	snop  }
0x7: {  	_ = 	snop  }
__scs_overlays_trampoline_lowered:
0x8: {  	[smem:$0x3FAD] =	sst s0  }
0x9: {  	[smem:$0x3FAE] =	sst s1  }
0xa: {  	[smem:$0x3FAF] =	sst s2  }
0xb: {  	[smem:$0x3FB0] =	sst s3  }
0xc: {  	[smem:$0x3FB1] =	sst s4  }
0xd: {  	[smem:$0x3FB2] =	sst s5  }
0xe: {  	[smem:$0x3FB3] =	sst s6  }
0xf: {  	[smem:$0x3FB4] =	sst s7  }
0x10: {  	[smem:$0x3FB5] =	sst s8  }
0x11: {  	[smem:$0x3FB6] =	sst s9;
	s0 =	simm.s32 @!p0 $0x0  }
0x12: {  	s1 =	sld [smem:$0x3F9C];
	s0 =	simm.s32 @p0 $0x1  }
0x13: {  	[smem:$0x3FB7] =	sst s0;
	s0 =	simm.s32 @!p1 $0x0  }
0x14: {  	s2 =	sld [smem:$0x3F9B];
	s0 =	simm.s32 @p1 $0x1  }
0x15: {  	[smem:$0x3FB8] =	sst s0;
	s0 =	simm.s32 @!p2 $0x0  }
0x16: {  	s3 =	sld [smem:$0x3FDB];
	s0 =	simm.s32 @p2 $0x1  }
0x17: {  	s4 =	simm.s32 $0x1BF5;
	[smem:$0x3FBA] =	sst s0  }
0x18: {  	s0 =	sld [smem:$0x3F9D];
	_ =	swait.ge [sflag:s4], $0x0  }
0x19: {  	s7 =	sld [smem:$0x3F9E]  }
0x1a: {  	s8 =	sadd.s32 $0xFFFFE003, lr  }
0x1b: {  	s9 =	sadd.s32 $0xFFFFFEF7, lr;
	s5 =	simm.s32 $0xFFFFFFFF;
	p2 =	slt.u32 s8, $0xFFFFF086  }
0x1c: {  	p1 =	slt.u32 s9, $0xF7A;
	s5 =	simm.s32 @!p2 $0x0  }
0x1d: {  	s5 =	simm.s32 @p1 $0x1;
	p0 =	seq.s32 s7, s2  }
0x1e: {  	s7 =	smul.u32 @!p0 $0xF7A, s2;
	p2 =	seq.s32 @!p0 s5, $0x0  }
0x1f: {  	s9 =	smul.u32 $0xF7A, s1;
	s8 =	simm.s32 @!p0 $0x1BF5;
	p2 =	por !p2, p0  }
0x20: {  	[sflag:s8] =	ssyncset.s32 @!p0 $0xFFFFF086;
	s6 =	sadd.s32 @!p0 s3, s7;
	s7 =	simm.s32 @!p0 $0x108  }
0x21: {  	s3 =	sadd.s32 s3, s9;
	s6 =	sadd.s32 @!p0 $0x88, s6;
	s7 =	simm.s32 @p2 $0x1082  }
0x22: {  	[simem:s7], [sflag:s8] =	dma.local @!p0 [hbm:s6], $0xF7A  }
0x23: {  	s9 =	sor.u32 $0xD0000000, s2;
	s6 =	simm.s32 $0x108;
	_ =	swait.ge @!p0 [sflag:s8], $0x0  }
0x24: {  	s3 =	sadd.s32 $0x88, s3;
	s6 =	simm.s32 @!p1 $0x1082;
	[sflag:s4] =	ssyncset.s32 $0xFFFFF086  }
0x25: {  	[simem:s6], [sflag:s4] =	dma.local [hbm:s3], $0xF7A  }
0x26: {  	[smem:$0x3F9E] =	sst s1;
	(tag) =	ssettag s2;
	_ =	strace s9  }
0x27: {  	s1 =	sld [smem:$0x3FAE]  }
0x28: {  	s2 =	sld [smem:$0x3FAF]  }
0x29: {  	s4 =	sld [smem:$0x3FB1]  }
0x2a: {  	p0 =	seq.s32 s5, $0x0;
	s5 =	sld [smem:$0x3FB2]  }
0x2b: {  	s6 =	sld [smem:$0x3FB3]  }
0x2c: {  	s7 =	sld [smem:$0x3FB4]  }
0x2d: {  	s3 =	simm.s32 $0x108;
	s8 =	sld [smem:$0x3FB5]  }
0x2e: {  	s3 =	simm.s32 @!p0 $0x1082;
	s9 =	sld [smem:$0x3FB6]  }
0x2f: {  	lr =	sadd.s32 s0, s3;
	s0 =	sld [smem:$0x3FAD]  }
0x30: {  	s3 =	sld [smem:$0x3FB0]  }
0x31: {  	[smem:$0x3FB9] =	sst s10  }
0x32: {  	s10 =	sld [smem:$0x3FB7];
	_ =	sdelay $0x3  }
0x33: {  	p0 =	seq.s32 s10, $0x1;
	s10 =	sld [smem:$0x3FB9];
	_ =	sdelay $0x3  }
0x34: {  	[smem:$0x3FB9] =	sst s10  }
0x35: {  	s10 =	sld [smem:$0x3FB8];
	_ =	sdelay $0x3  }
0x36: {  	p1 =	seq.s32 s10, $0x1;
	s10 =	sld [smem:$0x3FB9];
	_ =	sdelay $0x3  }
0x37: {  	[smem:$0x3FB9] =	sst s10  }
0x38: {  	s10 =	sld [smem:$0x3FBA]  }
0x39: {  	_ = 	snop;
	(pc) =	sbr.ind lr, $3  }
0x3a: {  	_ = 	snop  }
0x3b: {  	_ = 	snop  }
0x3c: {  	p2 =	seq.s32 s10, $0x1;
	s10 =	sld [smem:$0x3FB9]  }
0x3d: {  	_ =	shalt  }
0x3e: {  	_ =	shalt  }
0x3f: {  	_ =	shalt  }
0x40: {  	_ =	shalt  }
0x41: {  	_ =	shalt  }
0x42: {  	_ =	shalt  }
0x43: {  	_ =	shalt  }
0x44: {  	_ =	shalt  }
0x45: {  	_ =	shalt  }
0x46: {  	_ =	shalt  }
0x47: {  	_ =	shalt  }
0x48: {  	_ =	shalt  }
0x49: {  	_ =	shalt  }
0x4a: {  	_ =	shalt  }
0x4b: {  	_ =	shalt  }
0x4c: {  	_ =	shalt  }
0x4d: {  	_ =	shalt  }
0x4e: {  	_ =	shalt  }
0x4f: {  	_ =	shalt  }
0x50: {  	_ =	shalt  }
0x51: {  	_ =	shalt  }
0x52: {  	_ =	shalt  }
0x53: {  	_ =	shalt  }
0x54: {  	_ =	shalt  }
0x55: {  	_ =	shalt  }
0x56: {  	_ =	shalt  }
0x57: {  	_ =	shalt  }
0x58: {  	_ =	shalt  }
0x59: {  	_ =	shalt  }
0x5a: {  	_ =	shalt  }
0x5b: {  	_ =	shalt  }
0x5c: {  	_ =	shalt  }
0x5d: {  	_ =	shalt  }
0x5e: {  	_ =	shalt  }
0x5f: {  	_ =	shalt  }
0x60: {  	_ =	shalt  }
0x61: {  	_ =	shalt  }
0x62: {  	_ =	shalt  }
0x63: {  	_ =	shalt  }
0x64: {  	_ =	shalt  }
0x65: {  	_ =	shalt  }
0x66: {  	_ =	shalt  }
0x67: {  	_ =	shalt  }
0x68: {  	_ =	shalt  }
0x69: {  	_ =	shalt  }
0x6a: {  	_ =	shalt  }
0x6b: {  	_ =	shalt  }
0x6c: {  	_ =	shalt  }
0x6d: {  	_ =	shalt  }
0x6e: {  	_ =	shalt  }
0x6f: {  	_ =	shalt  }
0x70: {  	_ =	shalt  }
0x71: {  	_ =	shalt  }
0x72: {  	_ =	shalt  }
0x73: {  	_ =	shalt  }
0x74: {  	_ =	shalt  }
0x75: {  	_ =	shalt  }
0x76: {  	_ =	shalt  }
0x77: {  	_ =	shalt  }
0x78: {  	_ =	shalt  }
0x79: {  	_ =	shalt  }
0x7a: {  	_ =	shalt  }
0x7b: {  	_ =	shalt  }
0x7c: {  	_ =	shalt  }
0x7d: {  	_ =	shalt  }
0x7e: {  	_ =	shalt  }
0x7f: {  	_ =	shalt  }
0x80: {  	_ =	shalt  }
0x81: {  	_ =	shalt  }
0x82: {  	_ =	shalt  }
0x83: {  	_ =	shalt  }
0x84: {  	_ =	shalt  }
0x85: {  	_ =	shalt  }
0x86: {  	_ =	shalt  }
0x87: {  	_ =	shalt  }
.Lfunc_end0:
.L_simem_size_0:
called_computation_lowered:
.L_overlay_start_0:
0x88: {  	s2 =	sld [smem:$0x3FD9]  }
0x89: {  	s3 =	sld [smem:$0x3FFE];
	_ =	sdelay $0x1  }
0x8a: {  	s1 =	srdreg.scid  }
0x8b: {  	s0 =	sand.u32 $0x1, s1  }
0x8c: {  	s17 =	sshll.u32 s0, $0xA;
	s2 =	sadd.s32 s3, s2  }
0x8d: {  	s2 =	sadd.s32 s2, s17  }
0x8e: {  	[smem:$0x3FC5] =	sst s2  }
0x8f: {  	_ = 	snop  }
0x90: {  	s2 =	sld [smem:$0x3FC9]  }
0x91: {  	s18 =	sld [smem:$0x3FC8];
	(tm) =	ssettm $0x1  }
0x92: {  	s4 =	sld [smem:$0x3FFB];
	_ =	sdelay $0x3  }
0x93: {  	_ =	strace s4  }
0x94: {  	s4 =	sld [smem:$0x3FFC];
	_ =	sdelay $0x3  }
0x95: {  	_ =	strace s4  }
0x96: {  	s4 =	sld [smem:$0x3FFD];
	_ =	sdelay $0x3  }
0x97: {  	_ =	strace s4  }
0x98: {  	_ =	strace $0x8FFFFFFF  }
0x99: {  	s19 =	sld [smem:$0x3FDB];
	_ =	sdelay $0x1  }
0x9a: {  	s5 =	simm.s32 $_scs_section_size  }
0x9b: {  	s6 =	simm.s32 $_size__tile_overlayer_lowered;
	s7 =	simm.s32 $_tile_overlayer_lowered  }
0x9c: {  	s22 =	simm.s32 $0x1BFF;
	s21 =	sshll.u32 s7, $0x1;
	s4 =	sadd.s32 s5, s19  }
0x9d: {  	s8 =	simm.s32 $0x0;
	s20 =	sshll.u32 s6, $0x1;
	s6 =	sadd.s32 s21, s4  }
0x9e: {  	[timem:s8], [sflag:s22] =	dma.local [hbm:s6], s20  }
0x9f: {  	_ =	swait.ge [sflag:s22], s20  }
0xa0: {  	s5 =	ssub.s32 $0x0, s20;
	[sflag:s22] =	ssyncset.done $0x0  }
0xa1: {  	[sflag:s22] =	ssyncadd.s32 s5;
	_ =	sdelay $0x1  }
0xa2: {  	s23 =	simm.s32 $0x1B8B  }
0xa3: {  	_ =	swait.ge [sflag:s23], $0x1  }
0xa4: {  	[sflag:s23] =	ssyncset.done $0x0  }
0xa5: {  	s25 =	simm.s32 $0x1B8E;
	s24 =	sld [smem:$0x3FFE];
	[sflag:s23] =	ssyncadd.s32 $0xFFFFFFFF  }
0xa6: {  	s26 =	simm.s32 $execute0_lowered;
	[smem:$0x3FD2] =	sst s25  }
0xa7: {  	s6 =	sshll.u32 s26, $0x1;
	_ =	strace $0x80000046;
	[dreg:$0x1] =	wrdreg $0xFFFFFFFF  }
0xa8: {  	s28 =	simm.s32 $_size_execute0_lowered;
	s4 =	sadd.s32 s4, s6;
	[dreg:$0x0] =	wrdreg $0x0  }
0xa9: {  	s6 =	sshll.u32 s28, $0x1;
	[dreg:$0x2] =	wrdreg s4  }
0xaa: {  	[dreg:$0x3] =	wrdreg s6  }
0xab: {  	[dreg:$0x4] =	wrdreg $0xC0  }
0xac: {  	_ =	task [dreg:s8], $0x5FFFF  }
0xad: {  	[dreg:$0x1] =	wrdreg $0xFFFFFFFF  }
0xae: {  	[dreg:$0x0] =	wrdreg $0x60  }
0xaf: {  	[dreg:$0x2] =	wrdreg s2  }
0xb0: {  	[dreg:$0x3] =	wrdreg s18  }
0xb1: {  	[dreg:$0x4] =	wrdreg s24  }
0xb2: {  	[dreg:$0x5] =	wrdreg $0x181800  }
0xb3: {  	[dreg:$0x6] =	wrdreg $0x1A1800  }
0xb4: {  	[dreg:$0x7] =	wrdreg $0x1C1800  }
0xb5: {  	[dreg:$0x8] =	wrdreg $0x9  }
0xb6: {  	_ =	task.clear_ibuf [dreg:s8], $0x9FFFF;
	_ =	strace $0x90000046  }
0xb7: {  	s29 =	simm.s32 $0x9;
	_ =	strace $0x80000048  }
0xb8: {  	_ =	swait.ge [sflag:s29], $0x1  }
0xb9: {  	[sflag:s29] =	ssyncadd.s32 $0xFFFFFFFF  }
0xba: {  	_ =	strace $0x90000048  }
0xbb: {  	_ =	sfence  }
0xbc: {  	s30 =	sld [smem:$0x0];
	_ =	sdelay $0x2  }
0xbd: {  	s31 =	sshll.u32 s1, $0xD;
	s1 =	sshrl.u32 s1, $0x2  }
0xbe: {  	s3 =	sand.u32 $0x4000, s31;
	s1 =	sadd.s32 s1, s30  }
0xbf: {  	s0 =	sor.u32 s3, s0;
	s1 =	sshll.u32 s1, $0x11  }
0xc0: {  	s0 =	sor.u32 s1, s0  }
0xc1: {  	s0 =	sadd.s32 $0x8F2B, s0  }
0xc2: {  	[sflag:s0] =	ssyncadd.remote.s32 $0x1  }
0xc3: {  	_ =	sfence.sel $0xFFFF  }
0xc4: {  	[dreg:$0x0] =	wrdreg $0xFFFFFFFF;
	(pc) =	sbr.abs _section_cstart, $3  }
0xc5: {  	[dreg:$0x1] =	wrdreg $0xFFFFFFFF  }
0xc6: {  	_ =	task.clear_ibuf [dreg:s8], $0x2FFFF;
	_ =	strace $0x9FFFFFFF  }
0xc7: {  	(tm) =	ssettm $0x7FFFFFFF  }
tec
execute0_lowered:
.L_overlay_start_1:
0x0: {  	(tag) =	ssettag $0x1  }
0x1: {  	s0 =	rddreg [dreg:$0x0]  }
0x2: {  	s4 =	rddreg [dreg:$0x1]  }
0x3: {  	s6 =	rddreg [dreg:$0x2]  }
0x4: {  	s1 =	rddreg [dreg:$0x3]  }
0x5: {  	s2 =	rddreg [dreg:$0x4]  }
0x6: {  	s3 =	rddreg [dreg:$0x5];
	s5 =	simm.s32 $0x0  }
0x7: {  	s7 =	srdreg.scid;
	s9 =	stileid.u32;
	s28 =	simm.s32 $0x5  }
0x8: {  	s29 =	simm.s32 $0x6;
	s30 =	simm.s32 $0x1;
	s31 =	simm.s32 $0x80  }
0x9: {  	[smem:$0x7FF] =	sst s5;
	s7 =	sand.u32 $0x1, s7;
	s8 =	sshll.u32 s9, $0xA  }
0xa: {  	s9 =	sshll.u32 s9, $0xD;
	s12 =	sadd.s32 $0xE00, s6;
	s10 =	sshll.u32 s7, $0x11  }
0xb: {  	_ =	strace $0x80000047;
	s11 =	sadd.s32 s8, s6;
	[dreg:$0x7] =	wrdreg s12  }
0xc: {  	s13 =	sshll.u32 s7, $0x9;
	s7 =	ssub.s32 $0x2, s7;
	s17 =	sadd.s32 s9, s1  }
0xd: {  	s19 =	sadd.s32 s9, s2;
	s10 =	sor.u32 s9, s10;
	[dreg:$0xa] =	wrdreg s17  }
0xe: {  	s8 =	sor.u32 s13, s8;
	s14 =	sshrl.u32 s7, $0x1;
	[dreg:$0xb] =	wrdreg s19  }
0xf: {  	s9 =	sadd.s32 s9, s3;
	s10 =	sshrl.u32 s10, $0x3;
	s12 =	sshrl.u32 s8, $0x3  }
0x10: {  	s13 =	sshll.u32 s8, $0x4;
	s7 =	ssub.s32 s7, s14;
	s18 =	sor.u32 $0x80, s8  }
0x11: {  	[dreg:$0xc] =	wrdreg s9;
	s22 =	sor.u32 $0x100, s8;
	s8 =	sor.u32 $0x180, s8  }
0x12: {  	s6 =	sadd.s32 s10, s6;
	s15 =	sadd.s32 s4, s12;
	s16 =	sadd.s32 s0, s13  }
0x13: {  	s10 =	sadd.s32 $0x1600, s11;
	s20 =	sshrl.u32 s18, $0x3;
	s21 =	sshll.u32 s18, $0x4  }
0x14: {  	s23 =	sshrl.u32 s22, $0x3;
	s24 =	sshll.u32 s22, $0x4;
	s25 =	sshrl.u32 s8, $0x3  }
0x15: {  	s26 =	sshll.u32 s8, $0x4;
	s22 =	smax.u32 s7, $0x1;
	s7 =	simm.s32 $0x100  }
0x16: {  	s11 =	simm.s32 $0x3;
	s12 =	simm.s32 $0x0;
	[dreg:$0x8] =	wrdreg s15  }
0x17: {  	[dreg:$0x9] =	wrdreg s16;
	s9 =	sadd.s32 s4, s20;
	s19 =	sadd.s32 $0x5600, s6  }
0x18: {  	s20 =	sadd.s32 $0xD600, s6;
	[dreg:$0xd] =	wrdreg s9;
	s9 =	sadd.s32 s0, s21  }
0x19: {  	s21 =	sadd.s32 $0x15600, s6;
	[dreg:$0xe] =	wrdreg s9;
	s9 =	sadd.s32 s4, s23  }
0x1a: {  	s6 =	simm.s32 $0x2;
	s4 =	sadd.s32 s4, s25;
	[dreg:$0xf] =	wrdreg s9  }
0x1b: {  	s23 =	simm.s32 $0x7;
	s9 =	sadd.s32 s0, s24;
	[dreg:$0x11] =	wrdreg s4  }
0x1c: {  	s25 =	simm.s32 $0x14180;
	s0 =	sadd.s32 s0, s26;
	[dreg:$0x10] =	wrdreg s9  }
0x1d: {  	s24 =	simm.s32 $0x180;
	s26 =	simm.s32 $0x4;
	[dreg:$0x12] =	wrdreg s0  }
.LBB2_1:
0x1e: {  	s0 =	rddreg [dreg:$0x8];
	s16 =	stileid.u32  }
0x1f: {  	[tilespmem:s5], [sflag:$0x7] =	stream.linear.gather [hbm4b:s0+s5], $0x80, $0x38;
	[tilespmem:$0x1E180] =	vst v63  }
0x20: {  	s0 =	sshll.u32 s16, $0x6;
	_ =	swait.ge [sflag:s23], $0x80  }
0x21: {  	s4 =	sor.u32 $0x1C04, s0;
	[sflag:s23] =	ssyncset.done $0x0;
	s8 =	rddreg [dreg:$0xa]  }
0x22: {  	s15 =	rddreg [dreg:$0x9];
	[sflag:s23] =	ssyncadd.s32 $0xFFFFFF80;
	s14 =	sshrl.u32 s8, $0x3  }
0x23: {  	[tilespmem:s24], [sflag:$0x1] =	stream.linear.gather [hbm4b:s15+s5], $0x4000, $0x38;
	[tilespmem:$0x1E180] =	vst v63  }
0x24: {  	[spmem:s14], [sflag:s4] =	dma.local [hbm:s10], $0x400  }
0x25: {  	s4 =	rddreg [dreg:$0xb]  }
0x26: {  	s17 =	sor.u32 $0x1C05, s0;
	s4 =	sshrl.u32 s4, $0x3  }
0x27: {  	[spmem:s4], [sflag:s17] =	dma.local [hbm:s10], $0x400  }
0x28: {  	s9 =	rddreg [dreg:$0xc]  }
0x29: {  	s18 =	sor.u32 $0x1C06, s0;
	s13 =	sshrl.u32 s9, $0x3  }
0x2a: {  	[spmem:s13], [sflag:s18] =	dma.local [hbm:s10], $0x400  }
0x2b: {  	s8 =	rddreg [dreg:$0x7]  }
0x2c: {  	[tilespmem:s25], [sflag:$0x7] =	stream.linear.gather [hbm4b:s8+s5], $0x4000, $0x38;
	[tilespmem:$0x1E180] =	vst v63  }
0x2d: {  	_ =	swait.ge [sflag:s23], $0x4000  }
0x2e: {  	[sflag:s23] =	ssyncset.done $0x0  }
0x2f: {  	[sflag:s23] =	ssyncadd.s32 $0xFFFFC000  }
0x30: {  	_ =	swait.ge [sflag:s26], $0x400  }
0x31: {  	[sflag:s26] =	ssyncset.done $0x0  }
0x32: {  	[sflag:s26] =	ssyncadd.s32 $0xFFFFFC00  }
0x33: {  	_ =	swait.ge [sflag:s28], $0x400  }
0x34: {  	[sflag:s28] =	ssyncset.done $0x0  }
0x35: {  	[sflag:s28] =	ssyncadd.s32 $0xFFFFFC00  }
0x36: {  	_ =	swait.ge [sflag:s29], $0x400  }
0x37: {  	[sflag:s29] =	ssyncset.done $0x0  }
0x38: {  	[sflag:s29] =	ssyncadd.s32 $0xFFFFFC00  }
0x39: {  	[bflag:$0x0] =	sbarrier.arrive $0xFFFF  }
0x3a: {  	_ =	swait.ge [sflag:s30], $0x4000  }
0x3b: {  	[sflag:s30] =	ssyncset.done $0x0  }
0x3c: {  	s18 =	simm.s32 $0x280;
	[sflag:s30] =	ssyncadd.s32 $0xFFFFC000  }
0x3d: {  	v0 =	vld [tilespmem:s18+$0x80];
	_ =	sdelay $0x3  }
0x3e: {  	v1 =	vld [tilespmem:s18+$0xFFFFFF00]  }
0x3f: {  	v2 =	vld [tilespmem:s18+$0xFFFFFF80];
	v0 =	vmul.f32 v0, v0  }
0x40: {  	s8 =	simm.s32 $0xC280;
	v3 =	vld [tilespmem:s18+$0x0]  }
0x41: {  	[tilespmem:s8+$0x80] =	vst v0  }
0x42: {  	v0 =	vld [tilespmem:s18+$0x90]  }
0x43: {  	v1 =	vmul.f32 v1, v1  }
0x44: {  	v2 =	vmul.f32 v2, v2  }
0x45: {  	v3 =	vmul.f32 v3, v3;
	[tilespmem:s8+$0xFFFFFF00] =	vst v1  }
0x46: {  	[tilespmem:s8+$0xFFFFFF80] =	vst v2;
	v1 =	vld [tilespmem:s18+$0xFFFFFF10]  }
0x47: {  	[tilespmem:s8+$0x0] =	vst v3;
	v2 =	vld [tilespmem:s18+$0xFFFFFF90];
	v0 =	vmul.f32 v0, v0  }
0x48: {  	v3 =	vld [tilespmem:s18+$0x10]  }
0x49: {  	[tilespmem:s8+$0x90] =	vst v0  }
0x4a: {  	v0 =	vld [tilespmem:s18+$0xA0]  }
0x4b: {  	v1 =	vmul.f32 v1, v1  }
0x4c: {  	v2 =	vmul.f32 v2, v2  }
0x4d: {  	v3 =	vmul.f32 v3, v3;
	[tilespmem:s8+$0xFFFFFF10] =	vst v1  }
0x4e: {  	[tilespmem:s8+$0xFFFFFF90] =	vst v2;
	v1 =	vld [tilespmem:s18+$0xFFFFFF20]  }
0x4f: {  	[tilespmem:s8+$0x10] =	vst v3;
	v2 =	vld [tilespmem:s18+$0xFFFFFFA0];
	v0 =	vmul.f32 v0, v0  }
0x50: {  	v3 =	vld [tilespmem:s18+$0x20]  }
0x51: {  	[tilespmem:s8+$0xA0] =	vst v0  }
0x52: {  	v0 =	vld [tilespmem:s18+$0xB0]  }
0x53: {  	v1 =	vmul.f32 v1, v1  }
0x54: {  	v2 =	vmul.f32 v2, v2  }
0x55: {  	v3 =	vmul.f32 v3, v3;
	[tilespmem:s8+$0xFFFFFF20] =	vst v1  }
0x56: {  	[tilespmem:s8+$0xFFFFFFA0] =	vst v2;
	v1 =	vld [tilespmem:s18+$0xFFFFFF30]  }
0x57: {  	[tilespmem:s8+$0x20] =	vst v3;
	v2 =	vld [tilespmem:s18+$0xFFFFFFB0];
	v0 =	vmul.f32 v0, v0  }
0x58: {  	s15 =	simm.s32 $0x480;
	v3 =	vld [tilespmem:s18+$0x30]  }
0x59: {  	[tilespmem:s8+$0xB0] =	vst v0;
	v0 =	vld [tilespmem:s15+$0x80]  }
0x5a: {  	v4 =	vld [tilespmem:s18+$0xC0]  }
0x5b: {  	v5 =	vld [tilespmem:s15+$0xFFFFFF80];
	v1 =	vmul.f32 v1, v1  }
0x5c: {  	v6 =	vld [tilespmem:s15+$0x0];
	v2 =	vmul.f32 v2, v2  }
0x5d: {  	v3 =	vmul.f32 v3, v3;
	[tilespmem:s8+$0xFFFFFF30] =	vst v1;
	v1 =	vld [tilespmem:s15+$0xFFFFFF00]  }
0x5e: {  	[tilespmem:s8+$0xFFFFFFB0] =	vst v2;
	v2 =	vld [tilespmem:s18+$0xFFFFFF40];
	v0 =	vmul.f32 v0, v0  }
0x5f: {  	s9 =	simm.s32 $0xC480;
	[tilespmem:s8+$0x30] =	vst v3;
	v3 =	vld [tilespmem:s18+$0xFFFFFFC0];
	v4 =	vmul.f32 v4, v4  }
0x60: {  	v5 =	vmul.f32 v5, v5;
	[tilespmem:s9+$0x80] =	vst v0;
	v0 =	vld [tilespmem:s18+$0x40]  }
0x61: {  	v6 =	vmul.f32 v6, v6;
	v7 =	vld [tilespmem:s15+$0x90];
	[tilespmem:s8+$0xC0] =	vst v4  }
0x62: {  	[tilespmem:s9+$0xFFFFFF80] =	vst v5;
	v1 =	vmul.f32 v1, v1;
	v4 =	vld [tilespmem:s18+$0xD0]  }
0x63: {  	[tilespmem:s9+$0x0] =	vst v6;
	v5 =	vld [tilespmem:s15+$0xFFFFFF90];
	v2 =	vmul.f32 v2, v2  }
0x64: {  	v3 =	vmul.f32 v3, v3;
	[tilespmem:s9+$0xFFFFFF00] =	vst v1;
	v1 =	vld [tilespmem:s15+$0x10]  }
0x65: {  	v6 =	vld [tilespmem:s15+$0xFFFFFF10];
	[tilespmem:s8+$0xFFFFFF40] =	vst v2;
	v0 =	vmul.f32 v0, v0  }
0x66: {  	[tilespmem:s8+$0xFFFFFFC0] =	vst v3;
	v2 =	vmul.f32 v7, v7;
	v7 =	vld [tilespmem:s18+$0xFFFFFF50]  }
0x67: {  	v3 =	vld [tilespmem:s18+$0xFFFFFFD0];
	[tilespmem:s8+$0x40] =	vst v0;
	v0 =	vmul.f32 v4, v4  }
0x68: {  	v4 =	vmul.f32 v5, v5;
	[tilespmem:s9+$0x90] =	vst v2;
	v2 =	vld [tilespmem:s18+$0x50]  }
0x69: {  	v1 =	vmul.f32 v1, v1;
	v5 =	vld [tilespmem:s15+$0xA0];
	[tilespmem:s8+$0xD0] =	vst v0  }
0x6a: {  	v0 =	vmul.f32 v6, v6;
	[tilespmem:s9+$0xFFFFFF90] =	vst v4;
	v4 =	vld [tilespmem:s18+$0xE0]  }
0x6b: {  	[tilespmem:s9+$0x10] =	vst v1;
	v6 =	vld [tilespmem:s15+$0xFFFFFFA0];
	v1 =	vmul.f32 v7, v7  }
0x6c: {  	v3 =	vmul.f32 v3, v3;
	[tilespmem:s9+$0xFFFFFF10] =	vst v0;
	v0 =	vld [tilespmem:s15+$0x20]  }
0x6d: {  	v7 =	vld [tilespmem:s15+$0xFFFFFF20];
	[tilespmem:s8+$0xFFFFFF50] =	vst v1;
	v1 =	vmul.f32 v2, v2  }
0x6e: {  	[tilespmem:s8+$0xFFFFFFD0] =	vst v3;
	v2 =	vmul.f32 v5, v5;
	v5 =	vld [tilespmem:s18+$0xFFFFFF60]  }
0x6f: {  	v3 =	vld [tilespmem:s18+$0xFFFFFFE0];
	[tilespmem:s8+$0x50] =	vst v1;
	v1 =	vmul.f32 v4, v4  }
0x70: {  	v4 =	vmul.f32 v6, v6;
	[tilespmem:s9+$0xA0] =	vst v2;
	v2 =	vld [tilespmem:s18+$0x60]  }
0x71: {  	v0 =	vmul.f32 v0, v0;
	v6 =	vld [tilespmem:s15+$0xB0];
	[tilespmem:s8+$0xE0] =	vst v1  }
0x72: {  	v1 =	vmul.f32 v7, v7;
	[tilespmem:s9+$0xFFFFFFA0] =	vst v4;
	v7 =	vld [tilespmem:s18+$0xF0]  }
0x73: {  	v8 =	vld [tilespmem:s15+$0xFFFFFFB0];
	[tilespmem:s9+$0x20] =	vst v0;
	v0 =	vmul.f32 v5, v5  }
0x74: {  	v3 =	vmul.f32 v3, v3;
	[tilespmem:s9+$0xFFFFFF20] =	vst v1;
	v4 =	vld [tilespmem:s15+$0x30]  }
0x75: {  	v5 =	vld [tilespmem:s15+$0xFFFFFF30];
	[tilespmem:s8+$0xFFFFFF60] =	vst v0;
	v2 =	vmul.f32 v2, v2  }
0x76: {  	[tilespmem:s8+$0xFFFFFFE0] =	vst v3;
	v9 =	vmul.f32 v6, v6;
	v1 =	vld [tilespmem:s18+$0xFFFFFF70]  }
0x77: {  	v0 =	vld [tilespmem:s18+$0xFFFFFFF0];
	[tilespmem:s8+$0x60] =	vst v2;
	v3 =	vmul.f32 v7, v7  }
0x78: {  	s16 =	simm.s32 $0x4;
	s17 =	simm.s32 $0x680;
	v6 =	vmul.f32 v8, v8;
	[tilespmem:s9+$0xB0] =	vst v9;
	v2 =	vld [tilespmem:s18+$0x70]  }
.LBB2_2:
0x79: {  	v7 =	vld [tilespmem:s17+$0x80];
	v4 =	vmul.f32 v4, v4;
	[tilespmem:s8+$0xF0] =	vst v3  }
0x7a: {  	s16 =	sadd.s32 $0x4, s16;
	v3 =	vmul.f32 v5, v5;
	[tilespmem:s9+$0xFFFFFFB0] =	vst v6;
	v5 =	vld [tilespmem:s15+$0xC0]  }
0x7b: {  	p0 =	slt.u32 s16, $0x7C;
	v6 =	vld [tilespmem:s17+$0xFFFFFF80];
	[tilespmem:s9+$0x30] =	vst v4;
	v1 =	vmul.f32 v1, v1  }
0x7c: {  	v4 =	vld [tilespmem:s17+$0x0];
	[tilespmem:s9+$0xFFFFFF30] =	vst v3;
	v0 =	vmul.f32 v0, v0  }
0x7d: {  	v3 =	vld [tilespmem:s17+$0xFFFFFF00];
	[tilespmem:s8+$0xFFFFFF70] =	vst v1;
	v1 =	vmul.f32 v2, v2  }
0x7e: {  	v2 =	vmul.f32 v7, v7;
	v7 =	vld [tilespmem:s15+$0xFFFFFF40];
	[tilespmem:s8+$0xFFFFFFF0] =	vst v0  }
0x7f: {  	v0 =	vld [tilespmem:s15+$0xFFFFFFC0];
	v5 =	vmul.f32 v5, v5;
	[tilespmem:s8+$0x70] =	vst v1;
	s8 =	smov.u32 s9;
	s9 =	sadd.s32 $0x200, s9  }
0x80: {  	v1 =	vmul.f32 v6, v6;
	[tilespmem:s9+$0x80] =	vst v2;
	v2 =	vld [tilespmem:s15+$0x40]  }
0x81: {  	v4 =	vmul.f32 v4, v4;
	v6 =	vld [tilespmem:s17+$0x90];
	[tilespmem:s8+$0xC0] =	vst v5  }
0x82: {  	v3 =	vmul.f32 v3, v3;
	[tilespmem:s9+$0xFFFFFF80] =	vst v1;
	v1 =	vld [tilespmem:s15+$0xD0]  }
0x83: {  	v5 =	vld [tilespmem:s17+$0xFFFFFF90];
	[tilespmem:s9+$0x0] =	vst v4;
	v4 =	vmul.f32 v7, v7  }
0x84: {  	[tilespmem:s9+$0xFFFFFF00] =	vst v3;
	v3 =	vld [tilespmem:s17+$0x10];
	v0 =	vmul.f32 v0, v0  }
0x85: {  	v7 =	vld [tilespmem:s17+$0xFFFFFF10];
	[tilespmem:s8+$0xFFFFFF40] =	vst v4;
	v2 =	vmul.f32 v2, v2  }
0x86: {  	v4 =	vmul.f32 v6, v6;
	v6 =	vld [tilespmem:s15+$0xFFFFFF50];
	[tilespmem:s8+$0xFFFFFFC0] =	vst v0  }
0x87: {  	v0 =	vld [tilespmem:s15+$0xFFFFFFD0];
	[tilespmem:s8+$0x40] =	vst v2;
	v1 =	vmul.f32 v1, v1  }
0x88: {  	v2 =	vmul.f32 v5, v5;
	[tilespmem:s9+$0x90] =	vst v4;
	v4 =	vld [tilespmem:s15+$0x50]  }
0x89: {  	v3 =	vmul.f32 v3, v3;
	v5 =	vld [tilespmem:s17+$0xA0];
	[tilespmem:s8+$0xD0] =	vst v1  }
0x8a: {  	v1 =	vmul.f32 v7, v7;
	[tilespmem:s9+$0xFFFFFF90] =	vst v2;
	v2 =	vld [tilespmem:s15+$0xE0]  }
0x8b: {  	v7 =	vld [tilespmem:s17+$0xFFFFFFA0];
	[tilespmem:s9+$0x10] =	vst v3;
	v3 =	vmul.f32 v6, v6  }
0x8c: {  	[tilespmem:s9+$0xFFFFFF10] =	vst v1;
	v1 =	vld [tilespmem:s17+$0x20];
	v0 =	vmul.f32 v0, v0  }
0x8d: {  	v6 =	vld [tilespmem:s17+$0xFFFFFF20];
	[tilespmem:s8+$0xFFFFFF50] =	vst v3;
	v3 =	vmul.f32 v4, v4  }
0x8e: {  	v4 =	vmul.f32 v5, v5;
	v5 =	vld [tilespmem:s15+$0xFFFFFF60];
	[tilespmem:s8+$0xFFFFFFD0] =	vst v0  }
0x8f: {  	v0 =	vld [tilespmem:s15+$0xFFFFFFE0];
	[tilespmem:s8+$0x50] =	vst v3;
	v2 =	vmul.f32 v2, v2  }
0x90: {  	v3 =	vmul.f32 v7, v7;
	[tilespmem:s9+$0xA0] =	vst v4;
	v7 =	vld [tilespmem:s15+$0x60]  }
0x91: {  	v1 =	vmul.f32 v1, v1;
	v8 =	vld [tilespmem:s17+$0xB0];
	[tilespmem:s8+$0xE0] =	vst v2  }
0x92: {  	v2 =	vmul.f32 v6, v6;
	[tilespmem:s9+$0xFFFFFFA0] =	vst v3;
	v3 =	vld [tilespmem:s15+$0xF0]  }
0x93: {  	v6 =	vld [tilespmem:s17+$0xFFFFFFB0];
	[tilespmem:s9+$0x20] =	vst v1;
	v1 =	vmul.f32 v5, v5  }
.Ltmp0:
0x94: {  	[tilespmem:s9+$0xFFFFFF20] =	vst v2;
	v4 =	vld [tilespmem:s17+$0x30];
	v0 =	vmul.f32 v0, v0;
	(pc) =	sbr.rel @p0 .LBB2_2-.Ltmp0, $4  }
0x95: {  	v5 =	vld [tilespmem:s17+$0xFFFFFF30];
	[tilespmem:s8+$0xFFFFFF60] =	vst v1;
	v2 =	vmul.f32 v7, v7  }
0x96: {  	v7 =	vmul.f32 v8, v8;
	v1 =	vld [tilespmem:s15+$0xFFFFFF70];
	[tilespmem:s8+$0xFFFFFFE0] =	vst v0  }
0x97: {  	v0 =	vld [tilespmem:s15+$0xFFFFFFF0];
	[tilespmem:s8+$0x60] =	vst v2;
	v3 =	vmul.f32 v3, v3  }
0x98: {  	v6 =	vmul.f32 v6, v6;
	[tilespmem:s9+$0xB0] =	vst v7;
	v2 =	vld [tilespmem:s15+$0x70];
	s15 =	smov.u32 s17;
	s17 =	sadd.s32 $0x200, s17  }
0x99: {  	_ = 	snop  }
0x9a: {  	v5 =	vmul.f32 v5, v5;
	_ =	sdelay $0x1  }
0x9b: {  	v4 =	vmul.f32 v4, v4;
	v7 =	vld [tilespmem:s15+$0xC0];
	[tilespmem:s9+$0xFFFFFF30] =	vst v5  }
0x9c: {  	[tilespmem:s9+$0xFFFFFFB0] =	vst v6;
	v5 =	vld [tilespmem:s15+$0xFFFFFF40]  }
0x9d: {  	[tilespmem:s9+$0x30] =	vst v4;
	v4 =	vld [tilespmem:s15+$0xFFFFFFC0]  }
0x9e: {  	v6 =	vld [tilespmem:s15+$0x40];
	_ =	sdelay $0x1  }
0x9f: {  	v7 =	vmul.f32 v7, v7  }
0xa0: {  	v5 =	vmul.f32 v5, v5  }
0xa1: {  	[tilespmem:s9+$0xC0] =	vst v7;
	v4 =	vmul.f32 v4, v4  }
0xa2: {  	v7 =	vld [tilespmem:s15+$0xD0];
	[tilespmem:s9+$0xFFFFFF40] =	vst v5;
	v5 =	vmul.f32 v6, v6  }
0xa3: {  	[tilespmem:s9+$0xFFFFFFC0] =	vst v4;
	v6 =	vld [tilespmem:s15+$0xFFFFFF50]  }
0xa4: {  	v4 =	vld [tilespmem:s15+$0xFFFFFFD0];
	[tilespmem:s9+$0x40] =	vst v5  }
0xa5: {  	v5 =	vld [tilespmem:s15+$0x50];
	_ =	sdelay $0x1  }
0xa6: {  	v7 =	vmul.f32 v7, v7  }
0xa7: {  	v6 =	vmul.f32 v6, v6  }
0xa8: {  	[tilespmem:s9+$0xD0] =	vst v7;
	v4 =	vmul.f32 v4, v4  }
0xa9: {  	v7 =	vld [tilespmem:s15+$0xE0];
	[tilespmem:s9+$0xFFFFFF50] =	vst v6;
	v5 =	vmul.f32 v5, v5  }
0xaa: {  	[tilespmem:s9+$0xFFFFFFD0] =	vst v4;
	v6 =	vld [tilespmem:s15+$0xFFFFFF60]  }
0xab: {  	v4 =	vld [tilespmem:s15+$0xFFFFFFE0];
	[tilespmem:s9+$0x50] =	vst v5  }
0xac: {  	v5 =	vld [tilespmem:s15+$0x60];
	_ =	sdelay $0x1  }
0xad: {  	v7 =	vmul.f32 v7, v7  }
0xae: {  	v6 =	vmul.f32 v6, v6  }
0xaf: {  	[tilespmem:s9+$0xE0] =	vst v7;
	v4 =	vmul.f32 v4, v4  }
0xb0: {  	v7 =	vld [tilespmem:s15+$0xF0];
	[tilespmem:s9+$0xFFFFFF60] =	vst v6;
	v5 =	vmul.f32 v5, v5  }
0xb1: {  	[tilespmem:s9+$0xFFFFFFE0] =	vst v4;
	v6 =	vld [tilespmem:s15+$0xFFFFFF70]  }
0xb2: {  	v1 =	vmul.f32 v1, v1;
	v4 =	vld [tilespmem:s15+$0xFFFFFFF0];
	[tilespmem:s9+$0x60] =	vst v5  }
0xb3: {  	[tilespmem:s8+$0xF0] =	vst v3;
	v0 =	vmul.f32 v0, v0;
	v3 =	vld [tilespmem:s15+$0x70]  }
0xb4: {  	[tilespmem:s8+$0xFFFFFF70] =	vst v1;
	v1 =	vmul.f32 v2, v2  }
0xb5: {  	[tilespmem:s8+$0xFFFFFFF0] =	vst v0;
	v0 =	vmul.f32 v7, v7  }
0xb6: {  	[tilespmem:s8+$0x70] =	vst v1;
	v1 =	vmul.f32 v6, v6  }
0xb7: {  	[tilespmem:s9+$0xF0] =	vst v0;
	v0 =	vmul.f32 v4, v4  }
0xb8: {  	[tilespmem:s9+$0xFFFFFF70] =	vst v1;
	v1 =	vmul.f32 v3, v3  }
0xb9: {  	[tilespmem:s9+$0xFFFFFFF0] =	vst v0  }
0xba: {  	[tilespmem:s9+$0x70] =	vst v1  }
0xbb: {  	s8 =	rddreg [dreg:$0xd]  }
0xbc: {  	[tilespmem:s31], [sflag:$0x7] =	stream.linear.gather [hbm4b:s8+s5], $0x80, $0x38;
	[tilespmem:$0x1E180] =	vst v63  }
0xbd: {  	_ =	swait.ge [sflag:s23], $0x80  }
0xbe: {  	[sflag:s23] =	ssyncset.done $0x0  }
0xbf: {  	s17 =	simm.s32 $0x4180;
	s16 =	rddreg [dreg:$0xe];
	[sflag:s23] =	ssyncadd.s32 $0xFFFFFF80  }
0xc0: {  	[tilespmem:s17], [sflag:$0x2] =	stream.linear.gather [hbm4b:s16+s5], $0x4000, $0x38;
	[tilespmem:$0x1E180] =	vst v63  }
0xc1: {  	_ = 	snop  }
0xc2: {  	[spmem:s1] =	stream.indirect.scatter.add.f32 [tilespmem:s24], [sflag:$0x4], $0x80, s5, s31, $0xb8;
	[tilespmem:$0x1E180] =	vst v63  }
0xc3: {  	s18 =	simm.s32 $0xC180  }
0xc4: {  	[spmem:s2] =	stream.indirect.scatter.add.f32 [tilespmem:s18], [sflag:$0x4], $0x80, s5, s31, $0xb8;
	[tilespmem:$0x1E180] =	vst v63  }
0xc5: {  	_ = 	snop  }
0xc6: {  	[spmem:s3] =	stream.indirect.scatter.add.f32 [tilespmem:s25], [sflag:$0x4], $0x80, s5, s31, $0xb8;
	[tilespmem:$0x1E180] =	vst v63  }
0xc7: {  	_ =	swait.ge [sflag:s6], $0x4000  }
0xc8: {  	[sflag:s6] =	ssyncset.done $0x0  }
0xc9: {  	s18 =	simm.s32 $0x4280;
	[sflag:s6] =	ssyncadd.s32 $0xFFFFC000  }
0xca: {  	v0 =	vld [tilespmem:s18+$0x80];
	_ =	sdelay $0x3  }
0xcb: {  	v1 =	vld [tilespmem:s18+$0xFFFFFF00]  }
0xcc: {  	v2 =	vld [tilespmem:s18+$0xFFFFFF80];
	v0 =	vmul.f32 v0, v0  }
0xcd: {  	s8 =	simm.s32 $0x10280;
	v3 =	vld [tilespmem:s18+$0x0]  }
0xce: {  	[tilespmem:s8+$0x80] =	vst v0  }
0xcf: {  	v0 =	vld [tilespmem:s18+$0x90]  }
0xd0: {  	v1 =	vmul.f32 v1, v1  }
0xd1: {  	v2 =	vmul.f32 v2, v2  }
0xd2: {  	v3 =	vmul.f32 v3, v3;
	[tilespmem:s8+$0xFFFFFF00] =	vst v1  }
0xd3: {  	[tilespmem:s8+$0xFFFFFF80] =	vst v2;
	v1 =	vld [tilespmem:s18+$0xFFFFFF10]  }
0xd4: {  	[tilespmem:s8+$0x0] =	vst v3;
	v2 =	vld [tilespmem:s18+$0xFFFFFF90];
	v0 =	vmul.f32 v0, v0  }
0xd5: {  	v3 =	vld [tilespmem:s18+$0x10]  }
0xd6: {  	[tilespmem:s8+$0x90] =	vst v0  }
0xd7: {  	v0 =	vld [tilespmem:s18+$0xA0]  }
0xd8: {  	v1 =	vmul.f32 v1, v1  }
0xd9: {  	v2 =	vmul.f32 v2, v2  }
0xda: {  	v3 =	vmul.f32 v3, v3;
	[tilespmem:s8+$0xFFFFFF10] =	vst v1  }
0xdb: {  	[tilespmem:s8+$0xFFFFFF90] =	vst v2;
	v1 =	vld [tilespmem:s18+$0xFFFFFF20]  }
0xdc: {  	[tilespmem:s8+$0x10] =	vst v3;
	v2 =	vld [tilespmem:s18+$0xFFFFFFA0];
	v0 =	vmul.f32 v0, v0  }
0xdd: {  	v3 =	vld [tilespmem:s18+$0x20]  }
0xde: {  	[tilespmem:s8+$0xA0] =	vst v0  }
0xdf: {  	v0 =	vld [tilespmem:s18+$0xB0]  }
0xe0: {  	v1 =	vmul.f32 v1, v1  }
0xe1: {  	v2 =	vmul.f32 v2, v2  }
0xe2: {  	v3 =	vmul.f32 v3, v3;
	[tilespmem:s8+$0xFFFFFF20] =	vst v1  }
0xe3: {  	[tilespmem:s8+$0xFFFFFFA0] =	vst v2;
	v1 =	vld [tilespmem:s18+$0xFFFFFF30]  }
0xe4: {  	[tilespmem:s8+$0x20] =	vst v3;
	v2 =	vld [tilespmem:s18+$0xFFFFFFB0];
	v0 =	vmul.f32 v0, v0  }
0xe5: {  	s15 =	simm.s32 $0x4480;
	v3 =	vld [tilespmem:s18+$0x30]  }
0xe6: {  	[tilespmem:s8+$0xB0] =	vst v0;
	v0 =	vld [tilespmem:s15+$0x80]  }
0xe7: {  	v4 =	vld [tilespmem:s18+$0xC0]  }
0xe8: {  	v5 =	vld [tilespmem:s15+$0xFFFFFF80];
	v1 =	vmul.f32 v1, v1  }
0xe9: {  	v6 =	vld [tilespmem:s15+$0x0];
	v2 =	vmul.f32 v2, v2  }
0xea: {  	v3 =	vmul.f32 v3, v3;
	[tilespmem:s8+$0xFFFFFF30] =	vst v1;
	v1 =	vld [tilespmem:s15+$0xFFFFFF00]  }
0xeb: {  	[tilespmem:s8+$0xFFFFFFB0] =	vst v2;
	v2 =	vld [tilespmem:s18+$0xFFFFFF40];
	v0 =	vmul.f32 v0, v0  }
0xec: {  	s9 =	simm.s32 $0x10480;
	[tilespmem:s8+$0x30] =	vst v3;
	v3 =	vld [tilespmem:s18+$0xFFFFFFC0];
	v4 =	vmul.f32 v4, v4  }
0xed: {  	v5 =	vmul.f32 v5, v5;
	[tilespmem:s9+$0x80] =	vst v0;
	v0 =	vld [tilespmem:s18+$0x40]  }
0xee: {  	v6 =	vmul.f32 v6, v6;
	v7 =	vld [tilespmem:s15+$0x90];
	[tilespmem:s8+$0xC0] =	vst v4  }
0xef: {  	[tilespmem:s9+$0xFFFFFF80] =	vst v5;
	v1 =	vmul.f32 v1, v1;
	v4 =	vld [tilespmem:s18+$0xD0]  }
0xf0: {  	[tilespmem:s9+$0x0] =	vst v6;
	v5 =	vld [tilespmem:s15+$0xFFFFFF90];
	v2 =	vmul.f32 v2, v2  }
0xf1: {  	v3 =	vmul.f32 v3, v3;
	[tilespmem:s9+$0xFFFFFF00] =	vst v1;
	v1 =	vld [tilespmem:s15+$0x10]  }
0xf2: {  	v6 =	vld [tilespmem:s15+$0xFFFFFF10];
	[tilespmem:s8+$0xFFFFFF40] =	vst v2;
	v0 =	vmul.f32 v0, v0  }
0xf3: {  	[tilespmem:s8+$0xFFFFFFC0] =	vst v3;
	v2 =	vmul.f32 v7, v7;
	v7 =	vld [tilespmem:s18+$0xFFFFFF50]  }
0xf4: {  	v3 =	vld [tilespmem:s18+$0xFFFFFFD0];
	[tilespmem:s8+$0x40] =	vst v0;
	v0 =	vmul.f32 v4, v4  }
0xf5: {  	v4 =	vmul.f32 v5, v5;
	[tilespmem:s9+$0x90] =	vst v2;
	v2 =	vld [tilespmem:s18+$0x50]  }
0xf6: {  	v1 =	vmul.f32 v1, v1;
	v5 =	vld [tilespmem:s15+$0xA0];
	[tilespmem:s8+$0xD0] =	vst v0  }
0xf7: {  	v0 =	vmul.f32 v6, v6;
	[tilespmem:s9+$0xFFFFFF90] =	vst v4;
	v4 =	vld [tilespmem:s18+$0xE0]  }
0xf8: {  	[tilespmem:s9+$0x10] =	vst v1;
	v6 =	vld [tilespmem:s15+$0xFFFFFFA0];
	v1 =	vmul.f32 v7, v7  }
0xf9: {  	v3 =	vmul.f32 v3, v3;
	[tilespmem:s9+$0xFFFFFF10] =	vst v0;
	v0 =	vld [tilespmem:s15+$0x20]  }
0xfa: {  	v7 =	vld [tilespmem:s15+$0xFFFFFF20];
	[tilespmem:s8+$0xFFFFFF50] =	vst v1;
	v1 =	vmul.f32 v2, v2  }
0xfb: {  	[tilespmem:s8+$0xFFFFFFD0] =	vst v3;
	v2 =	vmul.f32 v5, v5;
	v5 =	vld [tilespmem:s18+$0xFFFFFF60]  }
0xfc: {  	v3 =	vld [tilespmem:s18+$0xFFFFFFE0];
	[tilespmem:s8+$0x50] =	vst v1;
	v1 =	vmul.f32 v4, v4  }
0xfd: {  	v4 =	vmul.f32 v6, v6;
	[tilespmem:s9+$0xA0] =	vst v2;
	v2 =	vld [tilespmem:s18+$0x60]  }
0xfe: {  	v0 =	vmul.f32 v0, v0;
	v6 =	vld [tilespmem:s15+$0xB0];
	[tilespmem:s8+$0xE0] =	vst v1  }
0xff: {  	v1 =	vmul.f32 v7, v7;
	[tilespmem:s9+$0xFFFFFFA0] =	vst v4;
	v7 =	vld [tilespmem:s18+$0xF0]  }
0x100: {  	v8 =	vld [tilespmem:s15+$0xFFFFFFB0];
	[tilespmem:s9+$0x20] =	vst v0;
	v0 =	vmul.f32 v5, v5  }
0x101: {  	v3 =	vmul.f32 v3, v3;
	[tilespmem:s9+$0xFFFFFF20] =	vst v1;
	v4 =	vld [tilespmem:s15+$0x30]  }
0x102: {  	v5 =	vld [tilespmem:s15+$0xFFFFFF30];
	[tilespmem:s8+$0xFFFFFF60] =	vst v0;
	v2 =	vmul.f32 v2, v2  }
0x103: {  	[tilespmem:s8+$0xFFFFFFE0] =	vst v3;
	v9 =	vmul.f32 v6, v6;
	v1 =	vld [tilespmem:s18+$0xFFFFFF70]  }
0x104: {  	v0 =	vld [tilespmem:s18+$0xFFFFFFF0];
	[tilespmem:s8+$0x60] =	vst v2;
	v3 =	vmul.f32 v7, v7  }
0x105: {  	s16 =	simm.s32 $0x4;
	s17 =	simm.s32 $0x4680;
	v6 =	vmul.f32 v8, v8;
	[tilespmem:s9+$0xB0] =	vst v9;
	v2 =	vld [tilespmem:s18+$0x70]  }
.LBB2_4:
0x106: {  	v7 =	vld [tilespmem:s17+$0x80];
	v4 =	vmul.f32 v4, v4;
	[tilespmem:s8+$0xF0] =	vst v3  }
0x107: {  	s16 =	sadd.s32 $0x4, s16;
	v3 =	vmul.f32 v5, v5;
	[tilespmem:s9+$0xFFFFFFB0] =	vst v6;
	v5 =	vld [tilespmem:s15+$0xC0]  }
0x108: {  	p0 =	slt.u32 s16, $0x7C;
	v6 =	vld [tilespmem:s17+$0xFFFFFF80];
	[tilespmem:s9+$0x30] =	vst v4;
	v1 =	vmul.f32 v1, v1  }
0x109: {  	v4 =	vld [tilespmem:s17+$0x0];
	[tilespmem:s9+$0xFFFFFF30] =	vst v3;
	v0 =	vmul.f32 v0, v0  }
0x10a: {  	v3 =	vld [tilespmem:s17+$0xFFFFFF00];
	[tilespmem:s8+$0xFFFFFF70] =	vst v1;
	v1 =	vmul.f32 v2, v2  }
0x10b: {  	v2 =	vmul.f32 v7, v7;
	v7 =	vld [tilespmem:s15+$0xFFFFFF40];
	[tilespmem:s8+$0xFFFFFFF0] =	vst v0  }
0x10c: {  	v0 =	vld [tilespmem:s15+$0xFFFFFFC0];
	v5 =	vmul.f32 v5, v5;
	[tilespmem:s8+$0x70] =	vst v1;
	s8 =	smov.u32 s9;
	s9 =	sadd.s32 $0x200, s9  }
0x10d: {  	v1 =	vmul.f32 v6, v6;
	[tilespmem:s9+$0x80] =	vst v2;
	v2 =	vld [tilespmem:s15+$0x40]  }
0x10e: {  	v4 =	vmul.f32 v4, v4;
	v6 =	vld [tilespmem:s17+$0x90];
	[tilespmem:s8+$0xC0] =	vst v5  }
0x10f: {  	v3 =	vmul.f32 v3, v3;
	[tilespmem:s9+$0xFFFFFF80] =	vst v1;
	v1 =	vld [tilespmem:s15+$0xD0]  }
0x110: {  	v5 =	vld [tilespmem:s17+$0xFFFFFF90];
	[tilespmem:s9+$0x0] =	vst v4;
	v4 =	vmul.f32 v7, v7  }
0x111: {  	[tilespmem:s9+$0xFFFFFF00] =	vst v3;
	v3 =	vld [tilespmem:s17+$0x10];
	v0 =	vmul.f32 v0, v0  }
0x112: {  	v7 =	vld [tilespmem:s17+$0xFFFFFF10];
	[tilespmem:s8+$0xFFFFFF40] =	vst v4;
	v2 =	vmul.f32 v2, v2  }
0x113: {  	v4 =	vmul.f32 v6, v6;
	v6 =	vld [tilespmem:s15+$0xFFFFFF50];
	[tilespmem:s8+$0xFFFFFFC0] =	vst v0  }
0x114: {  	v0 =	vld [tilespmem:s15+$0xFFFFFFD0];
	[tilespmem:s8+$0x40] =	vst v2;
	v1 =	vmul.f32 v1, v1  }
0x115: {  	v2 =	vmul.f32 v5, v5;
	[tilespmem:s9+$0x90] =	vst v4;
	v4 =	vld [tilespmem:s15+$0x50]  }
0x116: {  	v3 =	vmul.f32 v3, v3;
	v5 =	vld [tilespmem:s17+$0xA0];
	[tilespmem:s8+$0xD0] =	vst v1  }
0x117: {  	v1 =	vmul.f32 v7, v7;
	[tilespmem:s9+$0xFFFFFF90] =	vst v2;
	v2 =	vld [tilespmem:s15+$0xE0]  }
0x118: {  	v7 =	vld [tilespmem:s17+$0xFFFFFFA0];
	[tilespmem:s9+$0x10] =	vst v3;
	v3 =	vmul.f32 v6, v6  }
0x119: {  	[tilespmem:s9+$0xFFFFFF10] =	vst v1;
	v1 =	vld [tilespmem:s17+$0x20];
	v0 =	vmul.f32 v0, v0  }
0x11a: {  	v6 =	vld [tilespmem:s17+$0xFFFFFF20];
	[tilespmem:s8+$0xFFFFFF50] =	vst v3;
	v3 =	vmul.f32 v4, v4  }
0x11b: {  	v4 =	vmul.f32 v5, v5;
	v5 =	vld [tilespmem:s15+$0xFFFFFF60];
	[tilespmem:s8+$0xFFFFFFD0] =	vst v0  }
0x11c: {  	v0 =	vld [tilespmem:s15+$0xFFFFFFE0];
	[tilespmem:s8+$0x50] =	vst v3;
	v2 =	vmul.f32 v2, v2  }
0x11d: {  	v3 =	vmul.f32 v7, v7;
	[tilespmem:s9+$0xA0] =	vst v4;
	v7 =	vld [tilespmem:s15+$0x60]  }
0x11e: {  	v1 =	vmul.f32 v1, v1;
	v8 =	vld [tilespmem:s17+$0xB0];
	[tilespmem:s8+$0xE0] =	vst v2  }
0x11f: {  	v2 =	vmul.f32 v6, v6;
	[tilespmem:s9+$0xFFFFFFA0] =	vst v3;
	v3 =	vld [tilespmem:s15+$0xF0]  }
0x120: {  	v6 =	vld [tilespmem:s17+$0xFFFFFFB0];
	[tilespmem:s9+$0x20] =	vst v1;
	v1 =	vmul.f32 v5, v5  }
.Ltmp1:
0x121: {  	[tilespmem:s9+$0xFFFFFF20] =	vst v2;
	v4 =	vld [tilespmem:s17+$0x30];
	v0 =	vmul.f32 v0, v0;
	(pc) =	sbr.rel @p0 .LBB2_4-.Ltmp1, $4  }
0x122: {  	v5 =	vld [tilespmem:s17+$0xFFFFFF30];
	[tilespmem:s8+$0xFFFFFF60] =	vst v1;
	v2 =	vmul.f32 v7, v7  }
0x123: {  	v7 =	vmul.f32 v8, v8;
	v1 =	vld [tilespmem:s15+$0xFFFFFF70];
	[tilespmem:s8+$0xFFFFFFE0] =	vst v0  }
0x124: {  	v0 =	vld [tilespmem:s15+$0xFFFFFFF0];
	[tilespmem:s8+$0x60] =	vst v2;
	v3 =	vmul.f32 v3, v3  }
0x125: {  	v6 =	vmul.f32 v6, v6;
	[tilespmem:s9+$0xB0] =	vst v7;
	v2 =	vld [tilespmem:s15+$0x70];
	s15 =	smov.u32 s17;
	s17 =	sadd.s32 $0x200, s17  }
0x126: {  	_ = 	snop  }
0x127: {  	v5 =	vmul.f32 v5, v5;
	_ =	sdelay $0x1  }
0x128: {  	v4 =	vmul.f32 v4, v4;
	v7 =	vld [tilespmem:s15+$0xC0];
	[tilespmem:s9+$0xFFFFFF30] =	vst v5  }
0x129: {  	[tilespmem:s9+$0xFFFFFFB0] =	vst v6;
	v5 =	vld [tilespmem:s15+$0xFFFFFF40]  }
0x12a: {  	[tilespmem:s9+$0x30] =	vst v4;
	v4 =	vld [tilespmem:s15+$0xFFFFFFC0]  }
0x12b: {  	v6 =	vld [tilespmem:s15+$0x40];
	_ =	sdelay $0x1  }
0x12c: {  	v7 =	vmul.f32 v7, v7  }
0x12d: {  	v5 =	vmul.f32 v5, v5  }
0x12e: {  	[tilespmem:s9+$0xC0] =	vst v7;
	v4 =	vmul.f32 v4, v4  }
0x12f: {  	v7 =	vld [tilespmem:s15+$0xD0];
	[tilespmem:s9+$0xFFFFFF40] =	vst v5;
	v5 =	vmul.f32 v6, v6  }
0x130: {  	[tilespmem:s9+$0xFFFFFFC0] =	vst v4;
	v6 =	vld [tilespmem:s15+$0xFFFFFF50]  }
0x131: {  	v4 =	vld [tilespmem:s15+$0xFFFFFFD0];
	[tilespmem:s9+$0x40] =	vst v5  }
0x132: {  	v5 =	vld [tilespmem:s15+$0x50];
	_ =	sdelay $0x1  }
0x133: {  	v7 =	vmul.f32 v7, v7  }
0x134: {  	v6 =	vmul.f32 v6, v6  }
0x135: {  	[tilespmem:s9+$0xD0] =	vst v7;
	v4 =	vmul.f32 v4, v4  }
0x136: {  	v7 =	vld [tilespmem:s15+$0xE0];
	[tilespmem:s9+$0xFFFFFF50] =	vst v6;
	v5 =	vmul.f32 v5, v5  }
0x137: {  	[tilespmem:s9+$0xFFFFFFD0] =	vst v4;
	v6 =	vld [tilespmem:s15+$0xFFFFFF60]  }
0x138: {  	v4 =	vld [tilespmem:s15+$0xFFFFFFE0];
	[tilespmem:s9+$0x50] =	vst v5  }
0x139: {  	v5 =	vld [tilespmem:s15+$0x60];
	_ =	sdelay $0x1  }
0x13a: {  	v7 =	vmul.f32 v7, v7  }
0x13b: {  	v6 =	vmul.f32 v6, v6  }
0x13c: {  	[tilespmem:s9+$0xE0] =	vst v7;
	v4 =	vmul.f32 v4, v4  }
0x13d: {  	v7 =	vld [tilespmem:s15+$0xF0];
	[tilespmem:s9+$0xFFFFFF60] =	vst v6;
	v5 =	vmul.f32 v5, v5  }
0x13e: {  	[tilespmem:s9+$0xFFFFFFE0] =	vst v4;
	v6 =	vld [tilespmem:s15+$0xFFFFFF70]  }
0x13f: {  	v1 =	vmul.f32 v1, v1;
	v4 =	vld [tilespmem:s15+$0xFFFFFFF0];
	[tilespmem:s9+$0x60] =	vst v5  }
0x140: {  	[tilespmem:s8+$0xF0] =	vst v3;
	v0 =	vmul.f32 v0, v0;
	v3 =	vld [tilespmem:s15+$0x70]  }
0x141: {  	[tilespmem:s8+$0xFFFFFF70] =	vst v1;
	v1 =	vmul.f32 v2, v2  }
0x142: {  	[tilespmem:s8+$0xFFFFFFF0] =	vst v0;
	v0 =	vmul.f32 v7, v7  }
0x143: {  	[tilespmem:s8+$0x70] =	vst v1;
	v1 =	vmul.f32 v6, v6  }
0x144: {  	[tilespmem:s9+$0xF0] =	vst v0;
	v0 =	vmul.f32 v4, v4  }
0x145: {  	[tilespmem:s9+$0xFFFFFF70] =	vst v1;
	v1 =	vmul.f32 v3, v3  }
0x146: {  	[tilespmem:s9+$0xFFFFFFF0] =	vst v0  }
0x147: {  	[tilespmem:s9+$0x70] =	vst v1  }
0x148: {  	s8 =	rddreg [dreg:$0xf]  }
0x149: {  	[tilespmem:s7], [sflag:$0x7] =	stream.linear.gather [hbm4b:s8+s5], $0x80, $0x38;
	[tilespmem:$0x1E180] =	vst v63  }
0x14a: {  	_ =	swait.ge [sflag:s23], $0x80  }
0x14b: {  	[sflag:s23] =	ssyncset.done $0x0  }
0x14c: {  	s16 =	simm.s32 $0x8180;
	s15 =	rddreg [dreg:$0x10];
	[sflag:s23] =	ssyncadd.s32 $0xFFFFFF80  }
0x14d: {  	[tilespmem:s16], [sflag:$0x3] =	stream.linear.gather [hbm4b:s15+s5], $0x4000, $0x38;
	[tilespmem:$0x1E180] =	vst v63  }
0x14e: {  	s17 =	simm.s32 $0x4180  }
0x14f: {  	[spmem:s1] =	stream.indirect.scatter.add.f32 [tilespmem:s17], [sflag:$0x5], $0x80, s31, s31, $0xb8;
	[tilespmem:$0x1E180] =	vst v63  }
0x150: {  	s18 =	simm.s32 $0x10180  }
0x151: {  	[spmem:s2] =	stream.indirect.scatter.add.f32 [tilespmem:s18], [sflag:$0x5], $0x80, s31, s31, $0xb8;
	[tilespmem:$0x1E180] =	vst v63  }
0x152: {  	_ = 	snop  }
0x153: {  	[spmem:s3] =	stream.indirect.scatter.add.f32 [tilespmem:s25], [sflag:$0x5], $0x80, s31, s31, $0xb8;
	[tilespmem:$0x1E180] =	vst v63  }
0x154: {  	_ =	swait.ge [sflag:s26], $0x4000  }
0x155: {  	[sflag:s26] =	ssyncset.done $0x0  }
0x156: {  	[sflag:s26] =	ssyncadd.s32 $0xFFFFC000  }
0x157: {  	_ =	swait.ge [sflag:s26], $0x4000  }
0x158: {  	[sflag:s26] =	ssyncset.done $0x0  }
0x159: {  	[sflag:s26] =	ssyncadd.s32 $0xFFFFC000  }
0x15a: {  	_ =	swait.ge [sflag:s26], $0x4000  }
0x15b: {  	[sflag:s26] =	ssyncset.done $0x0  }
0x15c: {  	[sflag:s26] =	ssyncadd.s32 $0xFFFFC000  }
0x15d: {  	_ =	swait.ge [sflag:s11], $0x4000  }
0x15e: {  	[sflag:s11] =	ssyncset.done $0x0  }
0x15f: {  	s18 =	simm.s32 $0x8280;
	[sflag:s11] =	ssyncadd.s32 $0xFFFFC000  }
0x160: {  	v0 =	vld [tilespmem:s18+$0x80];
	_ =	sdelay $0x3  }
0x161: {  	v1 =	vld [tilespmem:s18+$0xFFFFFF00]  }
0x162: {  	v2 =	vld [tilespmem:s18+$0xFFFFFF80];
	v0 =	vmul.f32 v0, v0  }
0x163: {  	s8 =	simm.s32 $0xC280;
	v3 =	vld [tilespmem:s18+$0x0]  }
0x164: {  	[tilespmem:s8+$0x80] =	vst v0  }
0x165: {  	v0 =	vld [tilespmem:s18+$0x90]  }
0x166: {  	v1 =	vmul.f32 v1, v1  }
0x167: {  	v2 =	vmul.f32 v2, v2  }
0x168: {  	v3 =	vmul.f32 v3, v3;
	[tilespmem:s8+$0xFFFFFF00] =	vst v1  }
0x169: {  	[tilespmem:s8+$0xFFFFFF80] =	vst v2;
	v1 =	vld [tilespmem:s18+$0xFFFFFF10]  }
0x16a: {  	[tilespmem:s8+$0x0] =	vst v3;
	v2 =	vld [tilespmem:s18+$0xFFFFFF90];
	v0 =	vmul.f32 v0, v0  }
0x16b: {  	v3 =	vld [tilespmem:s18+$0x10]  }
0x16c: {  	[tilespmem:s8+$0x90] =	vst v0  }
0x16d: {  	v0 =	vld [tilespmem:s18+$0xA0]  }
0x16e: {  	v1 =	vmul.f32 v1, v1  }
0x16f: {  	v2 =	vmul.f32 v2, v2  }
0x170: {  	v3 =	vmul.f32 v3, v3;
	[tilespmem:s8+$0xFFFFFF10] =	vst v1  }
0x171: {  	[tilespmem:s8+$0xFFFFFF90] =	vst v2;
	v1 =	vld [tilespmem:s18+$0xFFFFFF20]  }
0x172: {  	[tilespmem:s8+$0x10] =	vst v3;
	v2 =	vld [tilespmem:s18+$0xFFFFFFA0];
	v0 =	vmul.f32 v0, v0  }
0x173: {  	v3 =	vld [tilespmem:s18+$0x20]  }
0x174: {  	[tilespmem:s8+$0xA0] =	vst v0  }
0x175: {  	v0 =	vld [tilespmem:s18+$0xB0]  }
0x176: {  	v1 =	vmul.f32 v1, v1  }
0x177: {  	v2 =	vmul.f32 v2, v2  }
0x178: {  	v3 =	vmul.f32 v3, v3;
	[tilespmem:s8+$0xFFFFFF20] =	vst v1  }
0x179: {  	[tilespmem:s8+$0xFFFFFFA0] =	vst v2;
	v1 =	vld [tilespmem:s18+$0xFFFFFF30]  }
0x17a: {  	[tilespmem:s8+$0x20] =	vst v3;
	v2 =	vld [tilespmem:s18+$0xFFFFFFB0];
	v0 =	vmul.f32 v0, v0  }
0x17b: {  	s15 =	simm.s32 $0x8480;
	v3 =	vld [tilespmem:s18+$0x30]  }
0x17c: {  	[tilespmem:s8+$0xB0] =	vst v0;
	v0 =	vld [tilespmem:s15+$0x80]  }
0x17d: {  	v4 =	vld [tilespmem:s18+$0xC0]  }
0x17e: {  	v5 =	vld [tilespmem:s15+$0xFFFFFF80];
	v1 =	vmul.f32 v1, v1  }
0x17f: {  	v6 =	vld [tilespmem:s15+$0x0];
	v2 =	vmul.f32 v2, v2  }
0x180: {  	v3 =	vmul.f32 v3, v3;
	[tilespmem:s8+$0xFFFFFF30] =	vst v1;
	v1 =	vld [tilespmem:s15+$0xFFFFFF00]  }
0x181: {  	[tilespmem:s8+$0xFFFFFFB0] =	vst v2;
	v2 =	vld [tilespmem:s18+$0xFFFFFF40];
	v0 =	vmul.f32 v0, v0  }
0x182: {  	s9 =	simm.s32 $0xC480;
	[tilespmem:s8+$0x30] =	vst v3;
	v3 =	vld [tilespmem:s18+$0xFFFFFFC0];
	v4 =	vmul.f32 v4, v4  }
0x183: {  	v5 =	vmul.f32 v5, v5;
	[tilespmem:s9+$0x80] =	vst v0;
	v0 =	vld [tilespmem:s18+$0x40]  }
0x184: {  	v6 =	vmul.f32 v6, v6;
	v7 =	vld [tilespmem:s15+$0x90];
	[tilespmem:s8+$0xC0] =	vst v4  }
0x185: {  	[tilespmem:s9+$0xFFFFFF80] =	vst v5;
	v1 =	vmul.f32 v1, v1;
	v4 =	vld [tilespmem:s18+$0xD0]  }
0x186: {  	[tilespmem:s9+$0x0] =	vst v6;
	v5 =	vld [tilespmem:s15+$0xFFFFFF90];
	v2 =	vmul.f32 v2, v2  }
0x187: {  	v3 =	vmul.f32 v3, v3;
	[tilespmem:s9+$0xFFFFFF00] =	vst v1;
	v1 =	vld [tilespmem:s15+$0x10]  }
0x188: {  	v6 =	vld [tilespmem:s15+$0xFFFFFF10];
	[tilespmem:s8+$0xFFFFFF40] =	vst v2;
	v0 =	vmul.f32 v0, v0  }
0x189: {  	[tilespmem:s8+$0xFFFFFFC0] =	vst v3;
	v2 =	vmul.f32 v7, v7;
	v7 =	vld [tilespmem:s18+$0xFFFFFF50]  }
0x18a: {  	v3 =	vld [tilespmem:s18+$0xFFFFFFD0];
	[tilespmem:s8+$0x40] =	vst v0;
	v0 =	vmul.f32 v4, v4  }
0x18b: {  	v4 =	vmul.f32 v5, v5;
	[tilespmem:s9+$0x90] =	vst v2;
	v2 =	vld [tilespmem:s18+$0x50]  }
0x18c: {  	v1 =	vmul.f32 v1, v1;
	v5 =	vld [tilespmem:s15+$0xA0];
	[tilespmem:s8+$0xD0] =	vst v0  }
0x18d: {  	v0 =	vmul.f32 v6, v6;
	[tilespmem:s9+$0xFFFFFF90] =	vst v4;
	v4 =	vld [tilespmem:s18+$0xE0]  }
0x18e: {  	[tilespmem:s9+$0x10] =	vst v1;
	v6 =	vld [tilespmem:s15+$0xFFFFFFA0];
	v1 =	vmul.f32 v7, v7  }
0x18f: {  	v3 =	vmul.f32 v3, v3;
	[tilespmem:s9+$0xFFFFFF10] =	vst v0;
	v0 =	vld [tilespmem:s15+$0x20]  }
0x190: {  	v7 =	vld [tilespmem:s15+$0xFFFFFF20];
	[tilespmem:s8+$0xFFFFFF50] =	vst v1;
	v1 =	vmul.f32 v2, v2  }
0x191: {  	[tilespmem:s8+$0xFFFFFFD0] =	vst v3;
	v2 =	vmul.f32 v5, v5;
	v5 =	vld [tilespmem:s18+$0xFFFFFF60]  }
0x192: {  	v3 =	vld [tilespmem:s18+$0xFFFFFFE0];
	[tilespmem:s8+$0x50] =	vst v1;
	v1 =	vmul.f32 v4, v4  }
0x193: {  	v4 =	vmul.f32 v6, v6;
	[tilespmem:s9+$0xA0] =	vst v2;
	v2 =	vld [tilespmem:s18+$0x60]  }
0x194: {  	v0 =	vmul.f32 v0, v0;
	v6 =	vld [tilespmem:s15+$0xB0];
	[tilespmem:s8+$0xE0] =	vst v1  }
0x195: {  	v1 =	vmul.f32 v7, v7;
	[tilespmem:s9+$0xFFFFFFA0] =	vst v4;
	v7 =	vld [tilespmem:s18+$0xF0]  }
0x196: {  	v8 =	vld [tilespmem:s15+$0xFFFFFFB0];
	[tilespmem:s9+$0x20] =	vst v0;
	v0 =	vmul.f32 v5, v5  }
0x197: {  	v3 =	vmul.f32 v3, v3;
	[tilespmem:s9+$0xFFFFFF20] =	vst v1;
	v4 =	vld [tilespmem:s15+$0x30]  }
0x198: {  	v5 =	vld [tilespmem:s15+$0xFFFFFF30];
	[tilespmem:s8+$0xFFFFFF60] =	vst v0;
	v2 =	vmul.f32 v2, v2  }
0x199: {  	[tilespmem:s8+$0xFFFFFFE0] =	vst v3;
	v9 =	vmul.f32 v6, v6;
	v1 =	vld [tilespmem:s18+$0xFFFFFF70]  }
0x19a: {  	v0 =	vld [tilespmem:s18+$0xFFFFFFF0];
	[tilespmem:s8+$0x60] =	vst v2;
	v3 =	vmul.f32 v7, v7  }
0x19b: {  	s16 =	simm.s32 $0x4;
	s17 =	simm.s32 $0x8680;
	v6 =	vmul.f32 v8, v8;
	[tilespmem:s9+$0xB0] =	vst v9;
	v2 =	vld [tilespmem:s18+$0x70]  }
.LBB2_6:
0x19c: {  	v7 =	vld [tilespmem:s17+$0x80];
	v4 =	vmul.f32 v4, v4;
	[tilespmem:s8+$0xF0] =	vst v3  }
0x19d: {  	s16 =	sadd.s32 $0x4, s16;
	v3 =	vmul.f32 v5, v5;
	[tilespmem:s9+$0xFFFFFFB0] =	vst v6;
	v5 =	vld [tilespmem:s15+$0xC0]  }
0x19e: {  	p0 =	slt.u32 s16, $0x7C;
	v6 =	vld [tilespmem:s17+$0xFFFFFF80];
	[tilespmem:s9+$0x30] =	vst v4;
	v1 =	vmul.f32 v1, v1  }
0x19f: {  	v4 =	vld [tilespmem:s17+$0x0];
	[tilespmem:s9+$0xFFFFFF30] =	vst v3;
	v0 =	vmul.f32 v0, v0  }
0x1a0: {  	v3 =	vld [tilespmem:s17+$0xFFFFFF00];
	[tilespmem:s8+$0xFFFFFF70] =	vst v1;
	v1 =	vmul.f32 v2, v2  }
0x1a1: {  	v2 =	vmul.f32 v7, v7;
	v7 =	vld [tilespmem:s15+$0xFFFFFF40];
	[tilespmem:s8+$0xFFFFFFF0] =	vst v0  }
0x1a2: {  	v0 =	vld [tilespmem:s15+$0xFFFFFFC0];
	v5 =	vmul.f32 v5, v5;
	[tilespmem:s8+$0x70] =	vst v1;
	s8 =	smov.u32 s9;
	s9 =	sadd.s32 $0x200, s9  }
0x1a3: {  	v1 =	vmul.f32 v6, v6;
	[tilespmem:s9+$0x80] =	vst v2;
	v2 =	vld [tilespmem:s15+$0x40]  }
0x1a4: {  	v4 =	vmul.f32 v4, v4;
	v6 =	vld [tilespmem:s17+$0x90];
	[tilespmem:s8+$0xC0] =	vst v5  }
0x1a5: {  	v3 =	vmul.f32 v3, v3;
	[tilespmem:s9+$0xFFFFFF80] =	vst v1;
	v1 =	vld [tilespmem:s15+$0xD0]  }
0x1a6: {  	v5 =	vld [tilespmem:s17+$0xFFFFFF90];
	[tilespmem:s9+$0x0] =	vst v4;
	v4 =	vmul.f32 v7, v7  }
0x1a7: {  	[tilespmem:s9+$0xFFFFFF00] =	vst v3;
	v3 =	vld [tilespmem:s17+$0x10];
	v0 =	vmul.f32 v0, v0  }
0x1a8: {  	v7 =	vld [tilespmem:s17+$0xFFFFFF10];
	[tilespmem:s8+$0xFFFFFF40] =	vst v4;
	v2 =	vmul.f32 v2, v2  }
0x1a9: {  	v4 =	vmul.f32 v6, v6;
	v6 =	vld [tilespmem:s15+$0xFFFFFF50];
	[tilespmem:s8+$0xFFFFFFC0] =	vst v0  }
0x1aa: {  	v0 =	vld [tilespmem:s15+$0xFFFFFFD0];
	[tilespmem:s8+$0x40] =	vst v2;
	v1 =	vmul.f32 v1, v1  }
0x1ab: {  	v2 =	vmul.f32 v5, v5;
	[tilespmem:s9+$0x90] =	vst v4;
	v4 =	vld [tilespmem:s15+$0x50]  }
0x1ac: {  	v3 =	vmul.f32 v3, v3;
	v5 =	vld [tilespmem:s17+$0xA0];
	[tilespmem:s8+$0xD0] =	vst v1  }
0x1ad: {  	v1 =	vmul.f32 v7, v7;
	[tilespmem:s9+$0xFFFFFF90] =	vst v2;
	v2 =	vld [tilespmem:s15+$0xE0]  }
0x1ae: {  	v7 =	vld [tilespmem:s17+$0xFFFFFFA0];
	[tilespmem:s9+$0x10] =	vst v3;
	v3 =	vmul.f32 v6, v6  }
0x1af: {  	[tilespmem:s9+$0xFFFFFF10] =	vst v1;
	v1 =	vld [tilespmem:s17+$0x20];
	v0 =	vmul.f32 v0, v0  }
0x1b0: {  	v6 =	vld [tilespmem:s17+$0xFFFFFF20];
	[tilespmem:s8+$0xFFFFFF50] =	vst v3;
	v3 =	vmul.f32 v4, v4  }
0x1b1: {  	v4 =	vmul.f32 v5, v5;
	v5 =	vld [tilespmem:s15+$0xFFFFFF60];
	[tilespmem:s8+$0xFFFFFFD0] =	vst v0  }
0x1b2: {  	v0 =	vld [tilespmem:s15+$0xFFFFFFE0];
	[tilespmem:s8+$0x50] =	vst v3;
	v2 =	vmul.f32 v2, v2  }
0x1b3: {  	v3 =	vmul.f32 v7, v7;
	[tilespmem:s9+$0xA0] =	vst v4;
	v7 =	vld [tilespmem:s15+$0x60]  }
0x1b4: {  	v1 =	vmul.f32 v1, v1;
	v8 =	vld [tilespmem:s17+$0xB0];
	[tilespmem:s8+$0xE0] =	vst v2  }
0x1b5: {  	v2 =	vmul.f32 v6, v6;
	[tilespmem:s9+$0xFFFFFFA0] =	vst v3;
	v3 =	vld [tilespmem:s15+$0xF0]  }
0x1b6: {  	v6 =	vld [tilespmem:s17+$0xFFFFFFB0];
	[tilespmem:s9+$0x20] =	vst v1;
	v1 =	vmul.f32 v5, v5  }
.Ltmp2:
0x1b7: {  	[tilespmem:s9+$0xFFFFFF20] =	vst v2;
	v4 =	vld [tilespmem:s17+$0x30];
	v0 =	vmul.f32 v0, v0;
	(pc) =	sbr.rel @p0 .LBB2_6-.Ltmp2, $4  }
0x1b8: {  	v5 =	vld [tilespmem:s17+$0xFFFFFF30];
	[tilespmem:s8+$0xFFFFFF60] =	vst v1;
	v2 =	vmul.f32 v7, v7  }
0x1b9: {  	v7 =	vmul.f32 v8, v8;
	v1 =	vld [tilespmem:s15+$0xFFFFFF70];
	[tilespmem:s8+$0xFFFFFFE0] =	vst v0  }
0x1ba: {  	v0 =	vld [tilespmem:s15+$0xFFFFFFF0];
	[tilespmem:s8+$0x60] =	vst v2;
	v3 =	vmul.f32 v3, v3  }
0x1bb: {  	v6 =	vmul.f32 v6, v6;
	[tilespmem:s9+$0xB0] =	vst v7;
	v2 =	vld [tilespmem:s15+$0x70];
	s15 =	smov.u32 s17;
	s17 =	sadd.s32 $0x200, s17  }
0x1bc: {  	_ = 	snop  }
0x1bd: {  	v5 =	vmul.f32 v5, v5;
	_ =	sdelay $0x1  }
0x1be: {  	v4 =	vmul.f32 v4, v4;
	v7 =	vld [tilespmem:s15+$0xC0];
	[tilespmem:s9+$0xFFFFFF30] =	vst v5  }
0x1bf: {  	[tilespmem:s9+$0xFFFFFFB0] =	vst v6;
	v5 =	vld [tilespmem:s15+$0xFFFFFF40]  }
0x1c0: {  	[tilespmem:s9+$0x30] =	vst v4;
	v4 =	vld [tilespmem:s15+$0xFFFFFFC0]  }
0x1c1: {  	v6 =	vld [tilespmem:s15+$0x40];
	_ =	sdelay $0x1  }
0x1c2: {  	v7 =	vmul.f32 v7, v7  }
0x1c3: {  	v5 =	vmul.f32 v5, v5  }
0x1c4: {  	[tilespmem:s9+$0xC0] =	vst v7;
	v4 =	vmul.f32 v4, v4  }
0x1c5: {  	v7 =	vld [tilespmem:s15+$0xD0];
	[tilespmem:s9+$0xFFFFFF40] =	vst v5;
	v5 =	vmul.f32 v6, v6  }
0x1c6: {  	[tilespmem:s9+$0xFFFFFFC0] =	vst v4;
	v6 =	vld [tilespmem:s15+$0xFFFFFF50]  }
0x1c7: {  	v4 =	vld [tilespmem:s15+$0xFFFFFFD0];
	[tilespmem:s9+$0x40] =	vst v5  }
0x1c8: {  	v5 =	vld [tilespmem:s15+$0x50];
	_ =	sdelay $0x1  }
0x1c9: {  	v7 =	vmul.f32 v7, v7  }
0x1ca: {  	v6 =	vmul.f32 v6, v6  }
0x1cb: {  	[tilespmem:s9+$0xD0] =	vst v7;
	v4 =	vmul.f32 v4, v4  }
0x1cc: {  	v7 =	vld [tilespmem:s15+$0xE0];
	[tilespmem:s9+$0xFFFFFF50] =	vst v6;
	v5 =	vmul.f32 v5, v5  }
0x1cd: {  	[tilespmem:s9+$0xFFFFFFD0] =	vst v4;
	v6 =	vld [tilespmem:s15+$0xFFFFFF60]  }
0x1ce: {  	v4 =	vld [tilespmem:s15+$0xFFFFFFE0];
	[tilespmem:s9+$0x50] =	vst v5  }
0x1cf: {  	v5 =	vld [tilespmem:s15+$0x60];
	_ =	sdelay $0x1  }
0x1d0: {  	v7 =	vmul.f32 v7, v7  }
0x1d1: {  	v6 =	vmul.f32 v6, v6  }
0x1d2: {  	[tilespmem:s9+$0xE0] =	vst v7;
	v4 =	vmul.f32 v4, v4  }
0x1d3: {  	v7 =	vld [tilespmem:s15+$0xF0];
	[tilespmem:s9+$0xFFFFFF60] =	vst v6;
	v5 =	vmul.f32 v5, v5  }
0x1d4: {  	[tilespmem:s9+$0xFFFFFFE0] =	vst v4;
	v6 =	vld [tilespmem:s15+$0xFFFFFF70]  }
0x1d5: {  	v1 =	vmul.f32 v1, v1;
	v4 =	vld [tilespmem:s15+$0xFFFFFFF0];
	[tilespmem:s9+$0x60] =	vst v5  }
0x1d6: {  	[tilespmem:s8+$0xF0] =	vst v3;
	v0 =	vmul.f32 v0, v0;
	v3 =	vld [tilespmem:s15+$0x70]  }
0x1d7: {  	[tilespmem:s8+$0xFFFFFF70] =	vst v1;
	v1 =	vmul.f32 v2, v2  }
0x1d8: {  	[tilespmem:s8+$0xFFFFFFF0] =	vst v0;
	v0 =	vmul.f32 v7, v7  }
0x1d9: {  	[tilespmem:s8+$0x70] =	vst v1;
	v1 =	vmul.f32 v6, v6  }
0x1da: {  	[tilespmem:s9+$0xF0] =	vst v0;
	v0 =	vmul.f32 v4, v4  }
0x1db: {  	[tilespmem:s9+$0xFFFFFF70] =	vst v1;
	v1 =	vmul.f32 v3, v3  }
0x1dc: {  	[tilespmem:s9+$0xFFFFFFF0] =	vst v0  }
0x1dd: {  	[tilespmem:s9+$0x70] =	vst v1  }
0x1de: {  	s8 =	rddreg [dreg:$0x11]  }
0x1df: {  	[tilespmem:s5], [sflag:$0x7] =	stream.linear.gather [hbm4b:s8+s5], $0x80, $0x38;
	[tilespmem:$0x1E180] =	vst v63  }
0x1e0: {  	_ =	swait.ge [sflag:s23], $0x80  }
0x1e1: {  	[sflag:s23] =	ssyncset.done $0x0  }
0x1e2: {  	s16 =	rddreg [dreg:$0x12];
	[sflag:s23] =	ssyncadd.s32 $0xFFFFFF80  }
0x1e3: {  	[tilespmem:s24], [sflag:$0x1] =	stream.linear.gather [hbm4b:s16+s5], $0x4000, $0x38;
	[tilespmem:$0x1E180] =	vst v63  }
0x1e4: {  	s17 =	simm.s32 $0x8180  }
0x1e5: {  	[spmem:s1] =	stream.indirect.scatter.add.f32 [tilespmem:s17], [sflag:$0x6], $0x80, s7, s31, $0xb8;
	[tilespmem:$0x1E180] =	vst v63  }
0x1e6: {  	s18 =	simm.s32 $0xC180  }
0x1e7: {  	[spmem:s2] =	stream.indirect.scatter.add.f32 [tilespmem:s18], [sflag:$0x6], $0x80, s7, s31, $0xb8;
	[tilespmem:$0x1E180] =	vst v63  }
0x1e8: {  	_ = 	snop  }
0x1e9: {  	[spmem:s3] =	stream.indirect.scatter.add.f32 [tilespmem:s25], [sflag:$0x6], $0x80, s7, s31, $0xb8;
	[tilespmem:$0x1E180] =	vst v63  }
0x1ea: {  	_ =	swait.ge [sflag:s28], $0x4000  }
0x1eb: {  	[sflag:s28] =	ssyncset.done $0x0  }
0x1ec: {  	[sflag:s28] =	ssyncadd.s32 $0xFFFFC000  }
0x1ed: {  	_ =	swait.ge [sflag:s28], $0x4000  }
0x1ee: {  	[sflag:s28] =	ssyncset.done $0x0  }
0x1ef: {  	[sflag:s28] =	ssyncadd.s32 $0xFFFFC000  }
0x1f0: {  	_ =	swait.ge [sflag:s28], $0x4000  }
0x1f1: {  	[sflag:s28] =	ssyncset.done $0x0  }
0x1f2: {  	[sflag:s28] =	ssyncadd.s32 $0xFFFFC000  }
0x1f3: {  	_ =	swait.ge [sflag:s30], $0x4000  }
0x1f4: {  	[sflag:s30] =	ssyncset.done $0x0  }
0x1f5: {  	s18 =	simm.s32 $0x280;
	[sflag:s30] =	ssyncadd.s32 $0xFFFFC000  }
0x1f6: {  	v0 =	vld [tilespmem:s18+$0x80];
	_ =	sdelay $0x3  }
0x1f7: {  	v1 =	vld [tilespmem:s18+$0xFFFFFF00]  }
0x1f8: {  	v2 =	vld [tilespmem:s18+$0xFFFFFF80];
	v0 =	vmul.f32 v0, v0  }
0x1f9: {  	s8 =	simm.s32 $0x10280;
	v3 =	vld [tilespmem:s18+$0x0]  }
0x1fa: {  	[tilespmem:s8+$0x80] =	vst v0  }
0x1fb: {  	v0 =	vld [tilespmem:s18+$0x90]  }
0x1fc: {  	v1 =	vmul.f32 v1, v1  }
0x1fd: {  	v2 =	vmul.f32 v2, v2  }
0x1fe: {  	v3 =	vmul.f32 v3, v3;
	[tilespmem:s8+$0xFFFFFF00] =	vst v1  }
0x1ff: {  	[tilespmem:s8+$0xFFFFFF80] =	vst v2;
	v1 =	vld [tilespmem:s18+$0xFFFFFF10]  }
0x200: {  	[tilespmem:s8+$0x0] =	vst v3;
	v2 =	vld [tilespmem:s18+$0xFFFFFF90];
	v0 =	vmul.f32 v0, v0  }
0x201: {  	v3 =	vld [tilespmem:s18+$0x10]  }
0x202: {  	[tilespmem:s8+$0x90] =	vst v0  }
0x203: {  	v0 =	vld [tilespmem:s18+$0xA0]  }
0x204: {  	v1 =	vmul.f32 v1, v1  }
0x205: {  	v2 =	vmul.f32 v2, v2  }
0x206: {  	v3 =	vmul.f32 v3, v3;
	[tilespmem:s8+$0xFFFFFF10] =	vst v1  }
0x207: {  	[tilespmem:s8+$0xFFFFFF90] =	vst v2;
	v1 =	vld [tilespmem:s18+$0xFFFFFF20]  }
0x208: {  	[tilespmem:s8+$0x10] =	vst v3;
	v2 =	vld [tilespmem:s18+$0xFFFFFFA0];
	v0 =	vmul.f32 v0, v0  }
0x209: {  	v3 =	vld [tilespmem:s18+$0x20]  }
0x20a: {  	[tilespmem:s8+$0xA0] =	vst v0  }
0x20b: {  	v0 =	vld [tilespmem:s18+$0xB0]  }
0x20c: {  	v1 =	vmul.f32 v1, v1  }
0x20d: {  	v2 =	vmul.f32 v2, v2  }
0x20e: {  	v3 =	vmul.f32 v3, v3;
	[tilespmem:s8+$0xFFFFFF20] =	vst v1  }
0x20f: {  	[tilespmem:s8+$0xFFFFFFA0] =	vst v2;
	v1 =	vld [tilespmem:s18+$0xFFFFFF30]  }
0x210: {  	[tilespmem:s8+$0x20] =	vst v3;
	v2 =	vld [tilespmem:s18+$0xFFFFFFB0];
	v0 =	vmul.f32 v0, v0  }
0x211: {  	s15 =	simm.s32 $0x480;
	v3 =	vld [tilespmem:s18+$0x30]  }
0x212: {  	[tilespmem:s8+$0xB0] =	vst v0;
	v0 =	vld [tilespmem:s15+$0x80]  }
0x213: {  	v4 =	vld [tilespmem:s18+$0xC0]  }
0x214: {  	v5 =	vld [tilespmem:s15+$0xFFFFFF80];
	v1 =	vmul.f32 v1, v1  }
0x215: {  	v6 =	vld [tilespmem:s15+$0x0];
	v2 =	vmul.f32 v2, v2  }
0x216: {  	v3 =	vmul.f32 v3, v3;
	[tilespmem:s8+$0xFFFFFF30] =	vst v1;
	v1 =	vld [tilespmem:s15+$0xFFFFFF00]  }
0x217: {  	[tilespmem:s8+$0xFFFFFFB0] =	vst v2;
	v2 =	vld [tilespmem:s18+$0xFFFFFF40];
	v0 =	vmul.f32 v0, v0  }
0x218: {  	s9 =	simm.s32 $0x10480;
	[tilespmem:s8+$0x30] =	vst v3;
	v3 =	vld [tilespmem:s18+$0xFFFFFFC0];
	v4 =	vmul.f32 v4, v4  }
0x219: {  	v5 =	vmul.f32 v5, v5;
	[tilespmem:s9+$0x80] =	vst v0;
	v0 =	vld [tilespmem:s18+$0x40]  }
0x21a: {  	v6 =	vmul.f32 v6, v6;
	v7 =	vld [tilespmem:s15+$0x90];
	[tilespmem:s8+$0xC0] =	vst v4  }
0x21b: {  	[tilespmem:s9+$0xFFFFFF80] =	vst v5;
	v1 =	vmul.f32 v1, v1;
	v4 =	vld [tilespmem:s18+$0xD0]  }
0x21c: {  	[tilespmem:s9+$0x0] =	vst v6;
	v5 =	vld [tilespmem:s15+$0xFFFFFF90];
	v2 =	vmul.f32 v2, v2  }
0x21d: {  	v3 =	vmul.f32 v3, v3;
	[tilespmem:s9+$0xFFFFFF00] =	vst v1;
	v1 =	vld [tilespmem:s15+$0x10]  }
0x21e: {  	v6 =	vld [tilespmem:s15+$0xFFFFFF10];
	[tilespmem:s8+$0xFFFFFF40] =	vst v2;
	v0 =	vmul.f32 v0, v0  }
0x21f: {  	[tilespmem:s8+$0xFFFFFFC0] =	vst v3;
	v2 =	vmul.f32 v7, v7;
	v7 =	vld [tilespmem:s18+$0xFFFFFF50]  }
0x220: {  	v3 =	vld [tilespmem:s18+$0xFFFFFFD0];
	[tilespmem:s8+$0x40] =	vst v0;
	v0 =	vmul.f32 v4, v4  }
0x221: {  	v4 =	vmul.f32 v5, v5;
	[tilespmem:s9+$0x90] =	vst v2;
	v2 =	vld [tilespmem:s18+$0x50]  }
0x222: {  	v1 =	vmul.f32 v1, v1;
	v5 =	vld [tilespmem:s15+$0xA0];
	[tilespmem:s8+$0xD0] =	vst v0  }
0x223: {  	v0 =	vmul.f32 v6, v6;
	[tilespmem:s9+$0xFFFFFF90] =	vst v4;
	v4 =	vld [tilespmem:s18+$0xE0]  }
0x224: {  	[tilespmem:s9+$0x10] =	vst v1;
	v6 =	vld [tilespmem:s15+$0xFFFFFFA0];
	v1 =	vmul.f32 v7, v7  }
0x225: {  	v3 =	vmul.f32 v3, v3;
	[tilespmem:s9+$0xFFFFFF10] =	vst v0;
	v0 =	vld [tilespmem:s15+$0x20]  }
0x226: {  	v7 =	vld [tilespmem:s15+$0xFFFFFF20];
	[tilespmem:s8+$0xFFFFFF50] =	vst v1;
	v1 =	vmul.f32 v2, v2  }
0x227: {  	[tilespmem:s8+$0xFFFFFFD0] =	vst v3;
	v2 =	vmul.f32 v5, v5;
	v5 =	vld [tilespmem:s18+$0xFFFFFF60]  }
0x228: {  	v3 =	vld [tilespmem:s18+$0xFFFFFFE0];
	[tilespmem:s8+$0x50] =	vst v1;
	v1 =	vmul.f32 v4, v4  }
0x229: {  	v4 =	vmul.f32 v6, v6;
	[tilespmem:s9+$0xA0] =	vst v2;
	v2 =	vld [tilespmem:s18+$0x60]  }
0x22a: {  	v0 =	vmul.f32 v0, v0;
	v6 =	vld [tilespmem:s15+$0xB0];
	[tilespmem:s8+$0xE0] =	vst v1  }
0x22b: {  	v1 =	vmul.f32 v7, v7;
	[tilespmem:s9+$0xFFFFFFA0] =	vst v4;
	v7 =	vld [tilespmem:s18+$0xF0]  }
0x22c: {  	v8 =	vld [tilespmem:s15+$0xFFFFFFB0];
	[tilespmem:s9+$0x20] =	vst v0;
	v0 =	vmul.f32 v5, v5  }
0x22d: {  	v3 =	vmul.f32 v3, v3;
	[tilespmem:s9+$0xFFFFFF20] =	vst v1;
	v4 =	vld [tilespmem:s15+$0x30]  }
0x22e: {  	v5 =	vld [tilespmem:s15+$0xFFFFFF30];
	[tilespmem:s8+$0xFFFFFF60] =	vst v0;
	v2 =	vmul.f32 v2, v2  }
0x22f: {  	[tilespmem:s8+$0xFFFFFFE0] =	vst v3;
	v9 =	vmul.f32 v6, v6;
	v1 =	vld [tilespmem:s18+$0xFFFFFF70]  }
0x230: {  	v0 =	vld [tilespmem:s18+$0xFFFFFFF0];
	[tilespmem:s8+$0x60] =	vst v2;
	v3 =	vmul.f32 v7, v7  }
0x231: {  	s16 =	simm.s32 $0x4;
	s17 =	simm.s32 $0x680;
	v6 =	vmul.f32 v8, v8;
	[tilespmem:s9+$0xB0] =	vst v9;
	v2 =	vld [tilespmem:s18+$0x70]  }
.LBB2_8:
0x232: {  	v7 =	vld [tilespmem:s17+$0x80];
	v4 =	vmul.f32 v4, v4;
	[tilespmem:s8+$0xF0] =	vst v3  }
0x233: {  	s16 =	sadd.s32 $0x4, s16;
	v3 =	vmul.f32 v5, v5;
	[tilespmem:s9+$0xFFFFFFB0] =	vst v6;
	v5 =	vld [tilespmem:s15+$0xC0]  }
0x234: {  	p0 =	slt.u32 s16, $0x7C;
	v6 =	vld [tilespmem:s17+$0xFFFFFF80];
	[tilespmem:s9+$0x30] =	vst v4;
	v1 =	vmul.f32 v1, v1  }
0x235: {  	v4 =	vld [tilespmem:s17+$0x0];
	[tilespmem:s9+$0xFFFFFF30] =	vst v3;
	v0 =	vmul.f32 v0, v0  }
0x236: {  	v3 =	vld [tilespmem:s17+$0xFFFFFF00];
	[tilespmem:s8+$0xFFFFFF70] =	vst v1;
	v1 =	vmul.f32 v2, v2  }
0x237: {  	v2 =	vmul.f32 v7, v7;
	v7 =	vld [tilespmem:s15+$0xFFFFFF40];
	[tilespmem:s8+$0xFFFFFFF0] =	vst v0  }
0x238: {  	v0 =	vld [tilespmem:s15+$0xFFFFFFC0];
	v5 =	vmul.f32 v5, v5;
	[tilespmem:s8+$0x70] =	vst v1;
	s8 =	smov.u32 s9;
	s9 =	sadd.s32 $0x200, s9  }
0x239: {  	v1 =	vmul.f32 v6, v6;
	[tilespmem:s9+$0x80] =	vst v2;
	v2 =	vld [tilespmem:s15+$0x40]  }
0x23a: {  	v4 =	vmul.f32 v4, v4;
	v6 =	vld [tilespmem:s17+$0x90];
	[tilespmem:s8+$0xC0] =	vst v5  }
0x23b: {  	v3 =	vmul.f32 v3, v3;
	[tilespmem:s9+$0xFFFFFF80] =	vst v1;
	v1 =	vld [tilespmem:s15+$0xD0]  }
0x23c: {  	v5 =	vld [tilespmem:s17+$0xFFFFFF90];
	[tilespmem:s9+$0x0] =	vst v4;
	v4 =	vmul.f32 v7, v7  }
0x23d: {  	[tilespmem:s9+$0xFFFFFF00] =	vst v3;
	v3 =	vld [tilespmem:s17+$0x10];
	v0 =	vmul.f32 v0, v0  }
0x23e: {  	v7 =	vld [tilespmem:s17+$0xFFFFFF10];
	[tilespmem:s8+$0xFFFFFF40] =	vst v4;
	v2 =	vmul.f32 v2, v2  }
0x23f: {  	v4 =	vmul.f32 v6, v6;
	v6 =	vld [tilespmem:s15+$0xFFFFFF50];
	[tilespmem:s8+$0xFFFFFFC0] =	vst v0  }
0x240: {  	v0 =	vld [tilespmem:s15+$0xFFFFFFD0];
	[tilespmem:s8+$0x40] =	vst v2;
	v1 =	vmul.f32 v1, v1  }
0x241: {  	v2 =	vmul.f32 v5, v5;
	[tilespmem:s9+$0x90] =	vst v4;
	v4 =	vld [tilespmem:s15+$0x50]  }
0x242: {  	v3 =	vmul.f32 v3, v3;
	v5 =	vld [tilespmem:s17+$0xA0];
	[tilespmem:s8+$0xD0] =	vst v1  }
0x243: {  	v1 =	vmul.f32 v7, v7;
	[tilespmem:s9+$0xFFFFFF90] =	vst v2;
	v2 =	vld [tilespmem:s15+$0xE0]  }
0x244: {  	v7 =	vld [tilespmem:s17+$0xFFFFFFA0];
	[tilespmem:s9+$0x10] =	vst v3;
	v3 =	vmul.f32 v6, v6  }
0x245: {  	[tilespmem:s9+$0xFFFFFF10] =	vst v1;
	v1 =	vld [tilespmem:s17+$0x20];
	v0 =	vmul.f32 v0, v0  }
0x246: {  	v6 =	vld [tilespmem:s17+$0xFFFFFF20];
	[tilespmem:s8+$0xFFFFFF50] =	vst v3;
	v3 =	vmul.f32 v4, v4  }
0x247: {  	v4 =	vmul.f32 v5, v5;
	v5 =	vld [tilespmem:s15+$0xFFFFFF60];
	[tilespmem:s8+$0xFFFFFFD0] =	vst v0  }
0x248: {  	v0 =	vld [tilespmem:s15+$0xFFFFFFE0];
	[tilespmem:s8+$0x50] =	vst v3;
	v2 =	vmul.f32 v2, v2  }
0x249: {  	v3 =	vmul.f32 v7, v7;
	[tilespmem:s9+$0xA0] =	vst v4;
	v7 =	vld [tilespmem:s15+$0x60]  }
0x24a: {  	v1 =	vmul.f32 v1, v1;
	v8 =	vld [tilespmem:s17+$0xB0];
	[tilespmem:s8+$0xE0] =	vst v2  }
0x24b: {  	v2 =	vmul.f32 v6, v6;
	[tilespmem:s9+$0xFFFFFFA0] =	vst v3;
	v3 =	vld [tilespmem:s15+$0xF0]  }
0x24c: {  	v6 =	vld [tilespmem:s17+$0xFFFFFFB0];
	[tilespmem:s9+$0x20] =	vst v1;
	v1 =	vmul.f32 v5, v5  }
.Ltmp3:
0x24d: {  	[tilespmem:s9+$0xFFFFFF20] =	vst v2;
	v4 =	vld [tilespmem:s17+$0x30];
	v0 =	vmul.f32 v0, v0;
	(pc) =	sbr.rel @p0 .LBB2_8-.Ltmp3, $4  }
0x24e: {  	v5 =	vld [tilespmem:s17+$0xFFFFFF30];
	[tilespmem:s8+$0xFFFFFF60] =	vst v1;
	v2 =	vmul.f32 v7, v7  }
0x24f: {  	v7 =	vmul.f32 v8, v8;
	v1 =	vld [tilespmem:s15+$0xFFFFFF70];
	[tilespmem:s8+$0xFFFFFFE0] =	vst v0  }
0x250: {  	v0 =	vld [tilespmem:s15+$0xFFFFFFF0];
	[tilespmem:s8+$0x60] =	vst v2;
	v3 =	vmul.f32 v3, v3  }
0x251: {  	v6 =	vmul.f32 v6, v6;
	[tilespmem:s9+$0xB0] =	vst v7;
	v2 =	vld [tilespmem:s15+$0x70];
	s15 =	smov.u32 s17;
	s17 =	sadd.s32 $0x200, s17  }
0x252: {  	v4 =	vmul.f32 v4, v4  }
0x253: {  	v7 =	vld [tilespmem:s15+$0xC0];
	v5 =	vmul.f32 v5, v5;
	[tilespmem:s9+$0xFFFFFFB0] =	vst v6  }
0x254: {  	[tilespmem:s9+$0x30] =	vst v4;
	v51 =	vld [tilespmem:s15+$0xFFFFFFC0]  }
0x255: {  	[tilespmem:s9+$0xFFFFFF30] =	vst v5;
	v52 =	vld [tilespmem:s15+$0x40]  }
0x256: {  	v5 =	vld [tilespmem:s15+$0xFFFFFF40];
	_ =	sdelay $0x1  }
0x257: {  	v7 =	vmul.f32 v7, v7  }
0x258: {  	v4 =	vmul.f32 v51, v51  }
0x259: {  	[tilespmem:s9+$0xC0] =	vst v7;
	v53 =	vmul.f32 v52, v52  }
0x25a: {  	v7 =	vld [tilespmem:s15+$0xD0];
	v5 =	vmul.f32 v5, v5;
	[tilespmem:s9+$0xFFFFFFC0] =	vst v4  }
0x25b: {  	v4 =	vld [tilespmem:s15+$0xFFFFFFD0];
	[tilespmem:s9+$0x40] =	vst v53  }
0x25c: {  	[tilespmem:s9+$0xFFFFFF40] =	vst v5;
	v5 =	vld [tilespmem:s15+$0x50]  }
0x25d: {  	v54 =	vld [tilespmem:s15+$0xFFFFFF50];
	_ =	sdelay $0x1  }
0x25e: {  	v7 =	vmul.f32 v7, v7  }
0x25f: {  	v4 =	vmul.f32 v4, v4  }
0x260: {  	[tilespmem:s9+$0xD0] =	vst v7;
	v5 =	vmul.f32 v5, v5  }
0x261: {  	v7 =	vld [tilespmem:s15+$0xE0];
	v6 =	vmul.f32 v54, v54;
	[tilespmem:s9+$0xFFFFFFD0] =	vst v4  }
0x262: {  	v4 =	vld [tilespmem:s15+$0xFFFFFFE0];
	[tilespmem:s9+$0x50] =	vst v5  }
0x263: {  	[tilespmem:s9+$0xFFFFFF50] =	vst v6;
	v5 =	vld [tilespmem:s15+$0x60]  }
0x264: {  	v6 =	vld [tilespmem:s15+$0xFFFFFF60];
	_ =	sdelay $0x1  }
0x265: {  	v7 =	vmul.f32 v7, v7  }
0x266: {  	v4 =	vmul.f32 v4, v4  }
0x267: {  	[tilespmem:s9+$0xE0] =	vst v7;
	v5 =	vmul.f32 v5, v5  }
0x268: {  	v55 =	vld [tilespmem:s15+$0xF0];
	v6 =	vmul.f32 v6, v6;
	[tilespmem:s9+$0xFFFFFFE0] =	vst v4  }
0x269: {  	[tilespmem:s9+$0x60] =	vst v5;
	v57 =	vld [tilespmem:s15+$0xFFFFFFF0]  }
0x26a: {  	v1 =	vmul.f32 v1, v1;
	[tilespmem:s9+$0xFFFFFF60] =	vst v6;
	v58 =	vld [tilespmem:s15+$0x70]  }
0x26b: {  	[tilespmem:s8+$0xF0] =	vst v3;
	v0 =	vmul.f32 v0, v0;
	v56 =	vld [tilespmem:s15+$0xFFFFFF70]  }
0x26c: {  	[tilespmem:s8+$0xFFFFFF70] =	vst v1;
	v59 =	vmul.f32 v2, v2  }
0x26d: {  	[tilespmem:s8+$0xFFFFFFF0] =	vst v0;
	v60 =	vmul.f32 v55, v55  }
0x26e: {  	[tilespmem:s8+$0x70] =	vst v59;
	v62 =	vmul.f32 v57, v57  }
0x26f: {  	[tilespmem:s9+$0xF0] =	vst v60;
	v63 =	vmul.f32 v58, v58  }
0x270: {  	v61 =	vmul.f32 v56, v56;
	[tilespmem:s9+$0xFFFFFFF0] =	vst v62  }
0x271: {  	[tilespmem:s9+$0x70] =	vst v63  }
0x272: {  	[tilespmem:s9+$0xFFFFFF70] =	vst v61  }
0x273: {  	[spmem:s1] =	stream.indirect.scatter.add.f32 [tilespmem:s24], [sflag:$0x4], $0x80, s5, s31, $0xb8;
	[tilespmem:$0x1E180] =	vst v63  }
0x274: {  	s18 =	simm.s32 $0x10180  }
0x275: {  	[spmem:s2] =	stream.indirect.scatter.add.f32 [tilespmem:s18], [sflag:$0x4], $0x80, s5, s31, $0xb8;
	[tilespmem:$0x1E180] =	vst v63  }
0x276: {  	_ = 	snop  }
0x277: {  	[spmem:s3] =	stream.indirect.scatter.add.f32 [tilespmem:s25], [sflag:$0x4], $0x80, s5, s31, $0xb8;
	[tilespmem:$0x1E180] =	vst v63  }
0x278: {  	_ =	swait.ge [sflag:s29], $0x4000  }
0x279: {  	[sflag:s29] =	ssyncset.done $0x0  }
0x27a: {  	[sflag:s29] =	ssyncadd.s32 $0xFFFFC000  }
0x27b: {  	_ =	swait.ge [sflag:s29], $0x4000  }
0x27c: {  	[sflag:s29] =	ssyncset.done $0x0  }
0x27d: {  	[sflag:s29] =	ssyncadd.s32 $0xFFFFC000  }
0x27e: {  	_ =	swait.ge [sflag:s29], $0x4000  }
0x27f: {  	[sflag:s29] =	ssyncset.done $0x0  }
0x280: {  	[sflag:s29] =	ssyncadd.s32 $0xFFFFC000  }
0x281: {  	_ =	swait.ge [sflag:s26], $0x4000  }
0x282: {  	[sflag:s26] =	ssyncset.done $0x0  }
0x283: {  	[sflag:s26] =	ssyncadd.s32 $0xFFFFC000  }
0x284: {  	_ =	swait.ge [sflag:s26], $0x4000  }
0x285: {  	[sflag:s26] =	ssyncset.done $0x0  }
0x286: {  	[sflag:s26] =	ssyncadd.s32 $0xFFFFC000  }
0x287: {  	_ =	swait.ge [sflag:s26], $0x4000  }
0x288: {  	[sflag:s26] =	ssyncset.done $0x0  }
0x289: {  	[sflag:s26] =	ssyncadd.s32 $0xFFFFC000  }
0x28a: {  	s0 =	sor.u32 $0x1C07, s0;
	[bflag:$0x0] =	sbarrier.arrive $0xFFFF  }
0x28b: {  	[hbm:s19], [sflag:s0] =	dma.local [spmem:s14], $0x400  }
0x28c: {  	_ =	swait.ge [sflag:s23], $0x400  }
0x28d: {  	[sflag:s23] =	ssyncset.done $0x0  }
0x28e: {  	[sflag:s23] =	ssyncadd.s32 $0xFFFFFC00  }
0x28f: {  	[hbm:s20], [sflag:s0] =	dma.local [spmem:s4], $0x400  }
0x290: {  	s12 =	sadd.s32 $0x1, s12;
	_ =	swait.ge [sflag:s23], $0x400  }
0x291: {  	p0 =	sne.s32 s12, s22;
	[sflag:s23] =	ssyncset.done $0x0  }
.Ltmp4:
0x292: {  	[sflag:s23] =	ssyncadd.s32 $0xFFFFFC00;
	(pc) =	sbr.rel @p0 .LBB2_1-.Ltmp4, $4  }
0x293: {  	[hbm:s21], [sflag:s0] =	dma.local [spmem:s13], $0x400  }
0x294: {  	_ =	swait.ge [sflag:s23], $0x400  }
0x295: {  	[sflag:s23] =	ssyncset.done $0x0  }
0x296: {  	[sflag:s23] =	ssyncadd.s32 $0xFFFFFC00  }
0x297: {  	_ =	sfence.sel $0x180000  }
0x298: {  	[bflag:$0x0] =	sbarrier.arrive $0xFFFF  }
0x299: {  	_ =	strace $0x90000047  }
0x29a: {  	s0 =	stileid.u32;
	[bflag:$0x2] =	sbarrier.arrive $0xFFFF  }
0x29b: {  	p0 =	sne.s32 s0, $0x0;
	s0 =	rddreg [dreg:$0x6]  }
0x29c: {  	s0 =	sadd.s32 @!p0 $0x100000, s0  }
0x29d: {  	[sflag:s0] =	ssyncadd.tile.s32 @!p0 $0x1;
	_ =	shalt  }
.Lfunc_end2:
_tile_overlayer_lowered:
.L_overlay_start_2:
0x29e: {  	(tag) =	ssettag $0x2  }
0x29f: {  	s0 =	rddreg [dreg:$0x0];
	s2 =	stileid.u32  }
0x2a0: {  	s1 =	rddreg [dreg:$0x1];
	p0 =	sne.s32 s2, $0x0  }
0x2a1: {  	s3 =	rddreg [dreg:$0x2];
	[bflag:$0x3] =	sbarrier.arrive $0xFFFF;
	s2 =	simm.s32 @!p0 $0x1C07  }
0x2a2: {  	[timem:s3], [sflag:s2] =	dma.local @!p0 [hbm:s0], s1  }
0x2a3: {  	s0 =	simm.s32 @!p0 $0x7  }
0x2a4: {  	_ =	swait.ge @!p0 [sflag:s0], s1  }
0x2a5: {  	s1 =	ssub.s32 @!p0 $0x0, s1;
	[sflag:s0] =	ssyncset.done @!p0 $0x0  }
0x2a6: {  	[sflag:s0] =	ssyncadd.s32 @!p0 s1  }
0x2a7: {  	[bflag:$0x3] =	sbarrier.arrive $0xFFFF  }
0x2a8: {  	_ =	shalt  }

</sc_bundles>
